<compile_context>
chip_gen: v7x
topology: tpu7x:2x2x1
jax: 0.10.2.dev20260603
libtpu: 0.0.44.dev20260713+nightly
codegen_flags: <defaults>
</compile_context>

<pallas_src>
import functools

import jax
import jax.numpy as jnp
from jax import lax
from jax.experimental import pallas as pl
from jax.experimental.pallas import tpu as pltpu
from jax.experimental.pallas import tpu_sc as plsc

NC = 2
NS = 16
LN = 16
CHUNK = 128


def _cdiv(a, b):
    return (a + b - 1) // b


@functools.partial(jax.jit, static_argnums=(4, 5, 6))
def _seg_call(tab, srci, dsti, zrows, n_nodes, nch, want_deg):
    width = tab.shape[1]
    rps = zrows.shape[0]
    nacc = rps * NS

    def body(*refs):
        if want_deg:
            (tab_ref, src_ref, dst_ref, z_ref, zd_ref, out_ref, deg_ref,
             acc, degsh, idx_s0, idx_d0, rows0, idx_s1, idx_d1, rows1,
             onesv, sem0, sem1) = refs
        else:
            (tab_ref, src_ref, dst_ref, z_ref, zd_ref, out_ref,
             acc, idx_s0, idx_d0, rows0, idx_s1, idx_d1, rows1,
             sem0, sem1) = refs
        c = lax.axis_index("c")
        s = lax.axis_index("s")
        pltpu.sync_copy(z_ref, acc.at[pl.ds(s * rps, rps)])
        if want_deg:
            @pl.when(c == 0)
            def _():
                pltpu.sync_copy(zd_ref, degsh.at[pl.ds(s * rps, rps)])
                for i in range(CHUNK // LN):
                    onesv[pl.ds(i * LN, LN)] = jnp.full((LN,), 1.0, jnp.float32)
        plsc.subcore_barrier()
        off = c * n_nodes
        bufs = ((idx_s0, idx_d0, rows0, sem0), (idx_s1, idx_d1, rows1, sem1))

        def load_and_issue(j, bi_s, bi_d, br, bsem):
            pltpu.sync_copy(src_ref.at[s, j], bi_s)
            pltpu.sync_copy(dst_ref.at[s, j], bi_d)
            for i in range(CHUNK // LN):
                sl = pl.ds(i * LN, LN)
                bi_s[sl] = bi_s[sl] + off
            pltpu.async_copy(tab_ref.at[bi_s], br, bsem)

        load_and_issue(0, idx_s0, idx_d0, rows0, sem0)

        def pair(p, carry):
            j = p * 2
            for b in range(2):
                jj = j + b
                bi_s, bi_d, br, bsem = bufs[b]
                ni_s, ni_d, nr, nsem = bufs[1 - b]

                @pl.when(jj + 1 < nch)
                def _():
                    load_and_issue(jj + 1, ni_s, ni_d, nr, nsem)
                pltpu.make_async_copy(tab_ref.at[bi_s], br, bsem).wait()
                if want_deg:
                    @pl.when(c == 0)
                    def _():
                        pltpu.sync_copy(onesv, degsh.at[bi_d], add=True)
                pltpu.sync_copy(br, acc.at[bi_d], add=True)
            return carry

        lax.fori_loop(0, nch // 2, pair, 0)
        plsc.subcore_barrier()
        pltpu.sync_copy(acc.at[pl.ds(s * rps, rps)],
                        out_ref.at[c, pl.ds(s * rps, rps)])
        if want_deg:
            @pl.when(c == 0)
            def _():
                pltpu.sync_copy(degsh.at[pl.ds(s * rps, rps)],
                                deg_ref.at[pl.ds(s * rps, rps)])

    mesh = plsc.VectorSubcoreMesh(core_axis_name="c", subcore_axis_name="s")
    out_type = [jax.ShapeDtypeStruct((NC, nacc, width), jnp.float32)]
    scratch = [pltpu.VMEM_SHARED((nacc, width), jnp.float32)]
    if want_deg:
        out_type.append(jax.ShapeDtypeStruct((nacc,), jnp.float32))
        scratch.append(pltpu.VMEM_SHARED((nacc,), jnp.float32))
    scratch += [
        pltpu.VMEM((CHUNK,), jnp.int32),
        pltpu.VMEM((CHUNK,), jnp.int32),
        pltpu.VMEM((CHUNK, width), jnp.float32),
        pltpu.VMEM((CHUNK,), jnp.int32),
        pltpu.VMEM((CHUNK,), jnp.int32),
        pltpu.VMEM((CHUNK, width), jnp.float32),
    ]
    if want_deg:
        scratch.append(pltpu.VMEM((CHUNK,), jnp.float32))
    scratch += [pltpu.SemaphoreType.DMA, pltpu.SemaphoreType.DMA]
    zdeg = jnp.zeros((rps,), jnp.float32)
    return pl.kernel(
        body,
        out_type=out_type if want_deg else out_type[0],
        mesh=mesh,
        scratch_types=scratch,
    )(tab, srci, dsti, zrows, zdeg)


@functools.partial(jax.jit, static_argnums=(3,))
def _edge_call(tab, ui, vi, nch):
    width = tab.shape[1]

    def body(tab_ref, u_ref, v_ref, out_ref,
             iu0, iv0, ru0, rv0, iu1, iv1, ru1, rv1, sem0, sem1):
        c = lax.axis_index("c")
        s = lax.axis_index("s")
        w = s * NC + c
        bufs = ((iu0, iv0, ru0, rv0, sem0), (iu1, iv1, ru1, rv1, sem1))

        def load_and_issue(j, bu, bv, bru, brv, bsem):
            pltpu.sync_copy(u_ref.at[w, j], bu)
            pltpu.sync_copy(v_ref.at[w, j], bv)
            pltpu.async_copy(tab_ref.at[bu], bru, bsem)
            pltpu.async_copy(tab_ref.at[bv], brv, bsem)

        load_and_issue(0, iu0, iv0, ru0, rv0, sem0)

        def pair(p, carry):
            j = p * 2
            for b in range(2):
                jj = j + b
                bu, bv, bru, brv, bsem = bufs[b]
                nb = bufs[1 - b]

                @pl.when(jj + 1 < nch)
                def _():
                    load_and_issue(jj + 1, *nb)
                pltpu.make_async_copy(tab_ref.at[bu], bru, bsem).wait()
                pltpu.make_async_copy(tab_ref.at[bv], brv, bsem).wait()

                def prow(r4, cc):
                    for rr in range(4):
                        r = r4 * 4 + rr
                        for i in range(width // LN):
                            sl = pl.ds(i * LN, LN)
                            bru[r, sl] = bru[r, sl] * brv[r, sl]
                    return cc

                lax.fori_loop(0, CHUNK // 4, prow, 0)
                pltpu.sync_copy(bru, out_ref.at[w, jj])
            return carry

        lax.fori_loop(0, nch // 2, pair, 0)

    mesh = plsc.VectorSubcoreMesh(core_axis_name="c", subcore_axis_name="s")
    return pl.kernel(
        body,
        out_type=jax.ShapeDtypeStruct((NC * NS, nch, CHUNK, width), jnp.float32),
        mesh=mesh,
        scratch_types=[
            pltpu.VMEM((CHUNK,), jnp.int32),
            pltpu.VMEM((CHUNK,), jnp.int32),
            pltpu.VMEM((CHUNK, width), jnp.float32),
            pltpu.VMEM((CHUNK, width), jnp.float32),
            pltpu.VMEM((CHUNK,), jnp.int32),
            pltpu.VMEM((CHUNK,), jnp.int32),
            pltpu.VMEM((CHUNK, width), jnp.float32),
            pltpu.VMEM((CHUNK, width), jnp.float32),
            pltpu.SemaphoreType.DMA,
            pltpu.SemaphoreType.DMA,
        ],
    )(tab, ui, vi)


@functools.partial(jax.jit, static_argnums=(3,))
def _dot_call(tab, ui, vi, nch):
    width = tab.shape[1]

    def body(tab_ref, u_ref, v_ref, out_ref,
             iu0, iv0, ru0, rv0, iu1, iv1, ru1, rv1, ps, sem0, sem1):
        c = lax.axis_index("c")
        s = lax.axis_index("s")
        w = s * NC + c
        bufs = ((iu0, iv0, ru0, rv0, sem0), (iu1, iv1, ru1, rv1, sem1))

        def load_and_issue(j, bu, bv, bru, brv, bsem):
            pltpu.sync_copy(u_ref.at[w, j], bu)
            pltpu.sync_copy(v_ref.at[w, j], bv)
            pltpu.async_copy(tab_ref.at[bu], bru, bsem)
            pltpu.async_copy(tab_ref.at[bv], brv, bsem)

        load_and_issue(0, iu0, iv0, ru0, rv0, sem0)

        def pair(p, carry):
            j = p * 2
            for b in range(2):
                jj = j + b
                bu, bv, bru, brv, bsem = bufs[b]
                nb = bufs[1 - b]

                @pl.when(jj + 1 < nch)
                def _():
                    load_and_issue(jj + 1, *nb)
                pltpu.make_async_copy(tab_ref.at[bu], bru, bsem).wait()
                pltpu.make_async_copy(tab_ref.at[bv], brv, bsem).wait()

                def prow(r4, cc):
                    for rr in range(4):
                        r = r4 * 4 + rr
                        acc16 = bru[r, pl.ds(0, LN)] * brv[r, pl.ds(0, LN)]
                        for i in range(1, width // LN):
                            sl = pl.ds(i * LN, LN)
                            acc16 = acc16 + bru[r, sl] * brv[r, sl]
                        ps[r, :] = acc16
                    return cc

                lax.fori_loop(0, CHUNK // 4, prow, 0)
                pltpu.sync_copy(ps, out_ref.at[w, jj])
            return carry

        lax.fori_loop(0, nch // 2, pair, 0)

    mesh = plsc.VectorSubcoreMesh(core_axis_name="c", subcore_axis_name="s")
    return pl.kernel(
        body,
        out_type=jax.ShapeDtypeStruct((NC * NS, nch, CHUNK, LN), jnp.float32),
        mesh=mesh,
        scratch_types=[
            pltpu.VMEM((CHUNK,), jnp.int32),
            pltpu.VMEM((CHUNK,), jnp.int32),
            pltpu.VMEM((CHUNK, width), jnp.float32),
            pltpu.VMEM((CHUNK, width), jnp.float32),
            pltpu.VMEM((CHUNK,), jnp.int32),
            pltpu.VMEM((CHUNK,), jnp.int32),
            pltpu.VMEM((CHUNK, width), jnp.float32),
            pltpu.VMEM((CHUNK, width), jnp.float32),
            pltpu.VMEM((CHUNK, LN), jnp.float32),
            pltpu.SemaphoreType.DMA,
            pltpu.SemaphoreType.DMA,
        ],
    )(tab, ui, vi)


@functools.partial(jax.jit, static_argnums=(6,))
def _sage_update(agg, x, degc, wn, ws, b, relu):
    n, d = x.shape[1], x.shape[2]
    bn = 1024

    def body(a_ref, x_ref, dg_ref, wn_ref, ws_ref, b_ref, o_ref):
        invd = 1.0 / jnp.maximum(dg_ref[...], 1.0)
        hn = a_ref[0] * invd
        h = (jnp.dot(hn, wn_ref[...], preferred_element_type=jnp.float32)
             + jnp.dot(x_ref[0], ws_ref[...], preferred_element_type=jnp.float32)
             + b_ref[...])
        if relu:
            h = jnp.maximum(h, 0.0)
        o_ref[0] = h

    return pl.pallas_call(
        body,
        grid=(2, n // bn),
        in_specs=[
            pl.BlockSpec((1, bn, d), lambda g, i: (g, i, 0)),
            pl.BlockSpec((1, bn, d), lambda g, i: (g, i, 0)),
            pl.BlockSpec((bn, 1), lambda g, i: (i, 0)),
            pl.BlockSpec((d, d), lambda g, i: (0, 0)),
            pl.BlockSpec((d, d), lambda g, i: (0, 0)),
            pl.BlockSpec((1, d), lambda g, i: (0, 0)),
        ],
        out_specs=pl.BlockSpec((1, bn, d), lambda g, i: (g, i, 0)),
        out_shape=jax.ShapeDtypeStruct((2, n, d), jnp.float32),
    )(agg, x, degc, wn, ws, b.reshape(1, d))


@functools.partial(jax.jit, static_argnums=(1, 2))
def _stats_call(prod, n_g, bn):
    d = prod.shape[1]

    def body(t_ref, s_ref, ts_ref):
        i = pl.program_id(0)

        @pl.when(i == 0)
        def _():
            s_ref[...] = jnp.zeros_like(s_ref)
            ts_ref[...] = jnp.zeros_like(ts_ref)

        t = t_ref[...]
        s_ref[...] += lax.dot_general(t, t, (((0,), (0,)), ((), ())),
                                      preferred_element_type=jnp.float32)
        ts_ref[...] += jnp.sum(t, axis=0, keepdims=True)

    return pl.pallas_call(
        body,
        grid=(n_g // bn,),
        in_specs=[pl.BlockSpec((bn, d), lambda i: (i, 0))],
        out_specs=[pl.BlockSpec((d, d), lambda i: (0, 0)),
                   pl.BlockSpec((1, d), lambda i: (0, 0))],
        out_shape=[jax.ShapeDtypeStruct((d, d), jnp.float32),
                   jax.ShapeDtypeStruct((1, d), jnp.float32)],
    )(prod)


@functools.partial(jax.jit, static_argnums=(5,))
def _bn_epilogue(s_mat, tsum, w1p, gam, bet, n_edges):
    d = s_mat.shape[0]

    def body(s_ref, ts_ref, w1_ref, g_ref, be_ref, sc_ref, sh_ref):
        w1 = w1_ref[...]
        t1 = jnp.dot(s_ref[...], w1, preferred_element_type=jnp.float32)
        diag_a = jnp.sum(t1 * w1, axis=0, keepdims=True)
        mu = jnp.dot(ts_ref[...] * (1.0 / n_edges), w1,
                     preferred_element_type=jnp.float32)
        var = diag_a * (1.0 / n_edges) - mu * mu
        inv = lax.rsqrt(var + 1e-5)
        sc = g_ref[...] * inv
        sc_ref[...] = sc
        sh_ref[...] = be_ref[...] - mu * sc

    return pl.pallas_call(
        body,
        out_shape=[jax.ShapeDtypeStruct((1, d), jnp.float32),
                   jax.ShapeDtypeStruct((1, d), jnp.float32)],
    )(s_mat, tsum, w1p, gam, bet)


@functools.partial(jax.jit, static_argnums=(6, 7))
def _pass2(prod, w1p, scale, shift, w2p, b2, n_g, bn):
    d = prod.shape[1]

    def body(t_ref, w1_ref, sc_ref, sh_ref, w2_ref, b2_ref, o_ref):
        y = jnp.dot(t_ref[...], w1_ref[...], preferred_element_type=jnp.float32)
        z = jnp.maximum(y * sc_ref[...] + sh_ref[...], 0.0)
        o_ref[...] = jnp.sum(z * w2_ref[...], axis=1, keepdims=True) + b2_ref[...]

    return pl.pallas_call(
        body,
        grid=(n_g // bn,),
        in_specs=[
            pl.BlockSpec((bn, d), lambda i: (i, 0)),
            pl.BlockSpec((d, d), lambda i: (0, 0)),
            pl.BlockSpec((1, d), lambda i: (0, 0)),
            pl.BlockSpec((1, d), lambda i: (0, 0)),
            pl.BlockSpec((1, d), lambda i: (0, 0)),
            pl.BlockSpec((1, 1), lambda i: (0, 0)),
        ],
        out_specs=pl.BlockSpec((bn, 1), lambda i: (i, 0)),
        out_shape=jax.ShapeDtypeStruct((n_g, 1), jnp.float32),
    )(prod, w1p, scale, shift, w2p, b2)


@jax.jit
def _dotsum(psums):
    m = psums.shape[0]
    bn = 1024

    def body(t_ref, o_ref):
        o_ref[...] = jnp.sum(t_ref[...], axis=1, keepdims=True)

    return pl.pallas_call(
        body,
        grid=(m // bn,),
        in_specs=[pl.BlockSpec((bn, LN), lambda i: (i, 0))],
        out_specs=pl.BlockSpec((bn, 1), lambda i: (i, 0)),
        out_shape=jax.ShapeDtypeStruct((m, 1), jnp.float32),
    )(psums)


def kernel(x1, x2, g_edge_index, pos_edge_index, neg_edge_index,
           W1_neigh, W1_self, b1, W2_neigh, W2_self, b2,
           mlp_W1, mlp_b1, bn_gamma, bn_beta, mlp_W2, mlp_b2):
    n, d = x1.shape
    e = g_edge_index.shape[1]
    ep = pos_edge_index.shape[1]
    en = neg_edge_index.shape[1]
    mh = mlp_W1.shape[1]

    src, dst = g_edge_index[0], g_edge_index[1]

    nacc = _cdiv(n + 1, 1024) * 1024
    rps = nacc // NS

    zn = jnp.zeros((nacc - n, d), jnp.float32)
    xs = jnp.stack([jnp.concatenate([x1, zn], 0),
                    jnp.concatenate([x2, zn], 0)])

    nch_g = _cdiv(_cdiv(e, NS * CHUNK), 2) * 2
    epad = nch_g * NS * CHUNK
    srcp = jnp.concatenate([src, jnp.zeros((epad - e,), jnp.int32)]
                           ).reshape(NS, nch_g, CHUNK)
    dstp = jnp.concatenate([dst, jnp.full((epad - e,), n, jnp.int32)]
                           ).reshape(NS, nch_g, CHUNK)
    zrows = jnp.zeros((rps, d), jnp.float32)

    acc_a, deg = _seg_call(xs.reshape(2 * nacc, d), srcp, dstp, zrows,
                           nacc, nch_g, True)
    degc = deg.reshape(nacc, 1)
    h1 = _sage_update(acc_a, xs, degc, W1_neigh, W1_self, b1, True)

    acc_c = _seg_call(h1.reshape(2 * nacc, d), srcp, dstp, zrows,
                      nacc, nch_g, False)
    h = _sage_update(acc_c, h1, degc, W2_neigh, W2_self, b2, False)

    tab_h = h.reshape(2 * nacc, d)

    nch_e = _cdiv(_cdiv(e, NC * NS * CHUNK), 2) * 2
    mpad = nch_e * NC * NS * CHUNK
    ug = jnp.concatenate([src, jnp.zeros((mpad - e,), jnp.int32)]
                         ).reshape(NC * NS, nch_e, CHUNK)
    vg = (jnp.concatenate([dst, jnp.zeros((mpad - e,), jnp.int32)]) + nacc
          ).reshape(NC * NS, nch_e, CHUNK)
    prod = _edge_call(tab_h, ug, vg, nch_e).reshape(mpad, d)

    m2 = ep + en
    nch_d = _cdiv(_cdiv(m2, NC * NS * CHUNK), 2) * 2
    m2pad = nch_d * NC * NS * CHUNK
    up = jnp.concatenate([pos_edge_index[0], neg_edge_index[0],
                          jnp.zeros((m2pad - m2,), jnp.int32)]
                         ).reshape(NC * NS, nch_d, CHUNK)
    vp = (jnp.concatenate([pos_edge_index[1], neg_edge_index[1],
                           jnp.zeros((m2pad - m2,), jnp.int32)]) + nacc
          ).reshape(NC * NS, nch_d, CHUNK)
    psums = _dot_call(tab_h, up, vp, nch_d).reshape(m2pad, LN)
    pn = _dotsum(psums)

    bn = 1000
    s_mat, tsum = _stats_call(prod, e, bn)
    w1p = jnp.zeros((d, d), jnp.float32).at[:, :mh].set(mlp_W1)
    gam = jnp.zeros((1, d), jnp.float32).at[0, :mh].set(bn_gamma)
    bet = jnp.zeros((1, d), jnp.float32).at[0, :mh].set(bn_beta)
    w2p = jnp.zeros((1, d), jnp.float32).at[0, :mh].set(mlp_W2[:, 0])
    scale, shift = _bn_epilogue(s_mat, tsum, w1p, gam, bet, float(e))
    rating = _pass2(prod, w1p, scale, shift, w2p,
                    mlp_b2.reshape(1, 1), e, bn)

    return pn[:ep], pn[ep:ep + en], rating

# --- scband reference (transcript-rebuilt; emitter-appended) ---
"""Pipeline reference for scband-match-sage-68092411510982 (READ-ONLY COPY).

The authoritative reference and input builder live on the scoring server;
editing this copy changes nothing except your own understanding.
"""

import jax, jax.numpy as jnp
import numpy as np


def _sage_layer(x, src, dst, W_neigh, W_self, b, N):
    # DGL SAGEConv(aggregator_type='mean'): fc_neigh(mean of in-neighbor src feats) + fc_self(h_dst)
    msg = x[src]
    agg = jax.ops.segment_sum(msg, dst, num_segments=N)
    deg = jax.ops.segment_sum(jnp.ones((src.shape[0],), x.dtype), dst, num_segments=N)
    h_neigh = agg / jnp.clip(deg, 1.0)[:, None]
    return h_neigh @ W_neigh + x @ W_self + b


def setup_inputs(seed: int = 0) -> dict:
    key = jax.random.key(seed)
    ks = jax.random.split(key, 20)
    N, E, Ep, En = 10000, 320000, 100000, 100000
    D, H, O, MH = 128, 128, 128, 30
    s_d = 1.0 / np.sqrt(D)
    s_h = 1.0 / np.sqrt(H)
    s_o = 1.0 / np.sqrt(O)
    s_m = 1.0 / np.sqrt(MH)
    return {
        "x1": jax.random.normal(ks[0], (N, D), jnp.float32),
        "x2": jax.random.normal(ks[1], (N, D), jnp.float32),
        "g_edge_index": jax.random.randint(ks[2], (2, E), 0, N, dtype=jnp.int32),
        "pos_edge_index": jax.random.randint(ks[3], (2, Ep), 0, N, dtype=jnp.int32),
        "neg_edge_index": jax.random.randint(ks[4], (2, En), 0, N, dtype=jnp.int32),
        "W1_neigh": jax.random.normal(ks[5], (D, H), jnp.float32) * s_d,
        "W1_self": jax.random.normal(ks[6], (D, H), jnp.float32) * s_d,
        "b1": jnp.zeros((H,), jnp.float32),
        "W2_neigh": jax.random.normal(ks[7], (H, O), jnp.float32) * s_h,
        "W2_self": jax.random.normal(ks[8], (H, O), jnp.float32) * s_h,
        "b2": jnp.zeros((O,), jnp.float32),
        "mlp_W1": jax.random.normal(ks[9], (O, MH), jnp.float32) * s_o,
        "mlp_b1": jnp.zeros((MH,), jnp.float32),
        "bn_gamma": jnp.ones((MH,), jnp.float32),
        "bn_beta": jnp.zeros((MH,), jnp.float32),
        "mlp_W2": jax.random.normal(ks[10], (MH, 1), jnp.float32) * s_m,
        "mlp_b2": jnp.zeros((1,), jnp.float32),
    }


def reference(x1, x2, g_edge_index, pos_edge_index, neg_edge_index,
              W1_neigh, W1_self, b1, W2_neigh, W2_self, b2,
              mlp_W1, mlp_b1, bn_gamma, bn_beta, mlp_W2, mlp_b2):
    N = x1.shape[0]
    src, dst = g_edge_index[0], g_edge_index[1]

    def sage(x):
        h = jax.nn.relu(_sage_layer(x, src, dst, W1_neigh, W1_self, b1, N))
        return _sage_layer(h, src, dst, W2_neigh, W2_self, b2, N)

    h_src = sage(x1)  # RSAGEConv over g applied to x1
    h_dst = sage(x2)  # RSAGEConv over g applied to x2

    def dot_score(eidx):
        u, v = eidx[0], eidx[1]
        return jnp.sum(h_src[u] * h_dst[v], axis=1, keepdims=True)  # fn.u_dot_v

    pos_score = dot_score(pos_edge_index)
    neg_score = dot_score(neg_edge_index)

    # MLPPredictor over g's edges (etype3)
    z = (h_src[src] * h_dst[dst]) @ mlp_W1 + mlp_b1
    mu = jnp.mean(z, axis=0)
    var = jnp.var(z, axis=0)
    z = (z - mu) / jnp.sqrt(var + 1e-5) * bn_gamma + bn_beta  # BatchNorm1d (training stats)
    z = jax.nn.relu(z)
    rating = z @ mlp_W2 + mlp_b2
    return pos_score, neg_score, rating

if __name__ == "__main__":
    import jax
    _d = setup_inputs()
    print(jax.jit(kernel)(*tuple(_d.values())))

</pallas_src>

<mosaic_0001>
#map = affine_map<(d0, d1) -> (0, 0)>
#map1 = affine_map<(d0, d1) -> (0, 0, 0)>
#map2 = affine_map<(d0, d1) -> (0)>
module attributes {stable_mosaic.version = 14 : i64} {
  func.func @body(%arg0: i32, %arg1: i32, %arg2: memref<20480x128xf32, #tpu.memory_space<hbm>>, %arg3: memref<16x158x128xi32, #tpu.memory_space<hbm>>, %arg4: memref<16x158x128xi32, #tpu.memory_space<hbm>>, %arg5: memref<640x128xf32, #tpu.memory_space<hbm>>, %arg6: memref<640xf32, #tpu.memory_space<hbm>>, %arg7: memref<2x10240x128xf32, #tpu.memory_space<hbm>>, %arg8: memref<10240xf32, #tpu.memory_space<hbm>>, %arg9: memref<10240x128xf32, #tpu.memory_space<vmem_shared>>, %arg10: memref<10240xf32, #tpu.memory_space<vmem_shared>>, %arg11: memref<128xi32, #tpu.memory_space<vmem>>, %arg12: memref<128xi32, #tpu.memory_space<vmem>>, %arg13: memref<128x128xf32, #tpu.memory_space<vmem>>, %arg14: memref<128xi32, #tpu.memory_space<vmem>>, %arg15: memref<128xi32, #tpu.memory_space<vmem>>, %arg16: memref<128x128xf32, #tpu.memory_space<vmem>>, %arg17: memref<128xf32, #tpu.memory_space<vmem>>, %arg18: memref<!tpu.dma_semaphore, #tpu.memory_space<semaphore_mem>>, %arg19: memref<!tpu.dma_semaphore, #tpu.memory_space<semaphore_mem>>) attributes {dimension_semantics = [#tpu.dimension_semantics<core_parallel>, #tpu.dimension_semantics<subcore_parallel>], iteration_bounds = array<i64: 2, 16>, scalar_prefetch = 0 : i64, scratch_operands = 11 : i64, tpu.core_type = #tpu.core_type<sc_vector_subcore>, window_params = [{transform_indices = #map}, {transform_indices = #map1}, {transform_indices = #map1}, {transform_indices = #map}, {transform_indices = #map2}, {transform_indices = #map1}, {transform_indices = #map2}]} {
    %mul3A = arith.constant 640 : i32
    %mul3A_0 = arith.muli %arg1, %mul3A : i32
    "tpu.region"() ({
      %run_scoped3A_92 = tpu.sem_alloc : memref<!tpu.dma_semaphore, #tpu.memory_space<semaphore_mem>>
      %dma_start3A_93 = arith.constant 0 : i32
      %dma_start3A_94 = tpu.memref_slice %arg9[%mul3A_0, %dma_start3A_93] : memref<10240x128xf32, #tpu.memory_space<vmem_shared>> -> memref<640x128xf32, #tpu.memory_space<vmem_shared>>
      tpu.enqueue_dma source(%arg5 : memref<640x128xf32, #tpu.memory_space<hbm>>) target(%dma_start3A_94 : memref<640x128xf32, #tpu.memory_space<vmem_shared>>) target_semaphore(%run_scoped3A_92 : memref<!tpu.dma_semaphore, #tpu.memory_space<semaphore_mem>>)
      %dma_wait3A = arith.constant 0 : i32
      %dma_wait3A_95 = tpu.memref_slice %arg9[%mul3A_0, %dma_wait3A] : memref<10240x128xf32, #tpu.memory_space<vmem_shared>> -> memref<640x128xf32, #tpu.memory_space<vmem_shared>>
      tpu.wait_dma2 semaphore(%run_scoped3A_92 : memref<!tpu.dma_semaphore, #tpu.memory_space<semaphore_mem>>) src(%arg5 : memref<640x128xf32, #tpu.memory_space<hbm>>) dst(%dma_wait3A_95 : memref<640x128xf32, #tpu.memory_space<vmem_shared>>)
      tpu.yield
    }) : () -> ()
    %eq3A = arith.constant 0 : i32
    %eq3A_1 = arith.cmpi eq, %arg0, %eq3A : i32
    %convert_element_type3A = arith.extui %eq3A_1 : i1 to i32
    %cond3A = arith.constant 0 : i32
    %cond3A_2 = arith.cmpi ne, %convert_element_type3A, %cond3A : i32
    scf.if %cond3A_2 {
      %mul3A_92 = arith.constant 640 : i32
      %mul3A_93 = arith.muli %arg1, %mul3A_92 : i32
      "tpu.region"() ({
        %run_scoped3A_141 = tpu.sem_alloc : memref<!tpu.dma_semaphore, #tpu.memory_space<semaphore_mem>>
        %dma_start3A_142 = tpu.memref_slice %arg10[%mul3A_93] : memref<10240xf32, #tpu.memory_space<vmem_shared>> -> memref<640xf32, #tpu.memory_space<vmem_shared>>
        tpu.enqueue_dma source(%arg6 : memref<640xf32, #tpu.memory_space<hbm>>) target(%dma_start3A_142 : memref<640xf32, #tpu.memory_space<vmem_shared>>) target_semaphore(%run_scoped3A_141 : memref<!tpu.dma_semaphore, #tpu.memory_space<semaphore_mem>>)
        %dma_wait3A = tpu.memref_slice %arg10[%mul3A_93] : memref<10240xf32, #tpu.memory_space<vmem_shared>> -> memref<640xf32, #tpu.memory_space<vmem_shared>>
        tpu.wait_dma2 semaphore(%run_scoped3A_141 : memref<!tpu.dma_semaphore, #tpu.memory_space<semaphore_mem>>) src(%arg6 : memref<640xf32, #tpu.memory_space<hbm>>) dst(%dma_wait3A : memref<640xf32, #tpu.memory_space<vmem_shared>>)
        tpu.yield
      }) : () -> ()
      %broadcast_in_dim3A = arith.constant 1.000000e+00 : f32
      %broadcast_in_dim3A_94 = vector.broadcast %broadcast_in_dim3A : f32 to vector<16xf32>
      %swap3A_95 = arith.constant 0 : index
      %swap3A_96 = tpu.vector_load %arg17[%swap3A_95] {strides = array<i32>} : memref<128xf32, #tpu.memory_space<vmem>>, vector<16xf32>,
      %swap3A_97 = vector.shape_cast %swap3A_96 : vector<16xf32> to vector<16xf32>
      %swap3A_98 = vector.shape_cast %broadcast_in_dim3A_94 : vector<16xf32> to vector<16xf32>
      tpu.vector_store %arg17[%swap3A_95], %swap3A_98 {strides = array<i32>} : memref<128xf32, #tpu.memory_space<vmem>>, vector<16xf32>,
      %broadcast_in_dim3A_99 = arith.constant 1.000000e+00 : f32
      %broadcast_in_dim3A_100 = vector.broadcast %broadcast_in_dim3A_99 : f32 to vector<16xf32>
      %swap3A_101 = arith.constant 16 : index
      %swap3A_102 = tpu.vector_load %arg17[%swap3A_101] {strides = array<i32>} : memref<128xf32, #tpu.memory_space<vmem>>, vector<16xf32>,
      %swap3A_103 = vector.shape_cast %swap3A_102 : vector<16xf32> to vector<16xf32>
      %swap3A_104 = vector.shape_cast %broadcast_in_dim3A_100 : vector<16xf32> to vector<16xf32>
      tpu.vector_store %arg17[%swap3A_101], %swap3A_104 {strides = array<i32>} : memref<128xf32, #tpu.memory_space<vmem>>, vector<16xf32>,
      %broadcast_in_dim3A_105 = arith.constant 1.000000e+00 : f32
      %broadcast_in_dim3A_106 = vector.broadcast %broadcast_in_dim3A_105 : f32 to vector<16xf32>
      %swap3A_107 = arith.constant 32 : index
      %swap3A_108 = tpu.vector_load %arg17[%swap3A_107] {strides = array<i32>} : memref<128xf32, #tpu.memory_space<vmem>>, vector<16xf32>,
      %swap3A_109 = vector.shape_cast %swap3A_108 : vector<16xf32> to vector<16xf32>
      %swap3A_110 = vector.shape_cast %broadcast_in_dim3A_106 : vector<16xf32> to vector<16xf32>
      tpu.vector_store %arg17[%swap3A_107], %swap3A_110 {strides = array<i32>} : memref<128xf32, #tpu.memory_space<vmem>>, vector<16xf32>,
      %broadcast_in_dim3A_111 = arith.constant 1.000000e+00 : f32
      %broadcast_in_dim3A_112 = vector.broadcast %broadcast_in_dim3A_111 : f32 to vector<16xf32>
      %swap3A_113 = arith.constant 48 : index
      %swap3A_114 = tpu.vector_load %arg17[%swap3A_113] {strides = array<i32>} : memref<128xf32, #tpu.memory_space<vmem>>, vector<16xf32>,
      %swap3A_115 = vector.shape_cast %swap3A_114 : vector<16xf32> to vector<16xf32>
      %swap3A_116 = vector.shape_cast %broadcast_in_dim3A_112 : vector<16xf32> to vector<16xf32>
      tpu.vector_store %arg17[%swap3A_113], %swap3A_116 {strides = array<i32>} : memref<128xf32, #tpu.memory_space<vmem>>, vector<16xf32>,
      %broadcast_in_dim3A_117 = arith.constant 1.000000e+00 : f32
      %broadcast_in_dim3A_118 = vector.broadcast %broadcast_in_dim3A_117 : f32 to vector<16xf32>
      %swap3A_119 = arith.constant 64 : index
      %swap3A_120 = tpu.vector_load %arg17[%swap3A_119] {strides = array<i32>} : memref<128xf32, #tpu.memory_space<vmem>>, vector<16xf32>,
      %swap3A_121 = vector.shape_cast %swap3A_120 : vector<16xf32> to vector<16xf32>
      %swap3A_122 = vector.shape_cast %broadcast_in_dim3A_118 : vector<16xf32> to vector<16xf32>
      tpu.vector_store %arg17[%swap3A_119], %swap3A_122 {strides = array<i32>} : memref<128xf32, #tpu.memory_space<vmem>>, vector<16xf32>,
      %broadcast_in_dim3A_123 = arith.constant 1.000000e+00 : f32
      %broadcast_in_dim3A_124 = vector.broadcast %broadcast_in_dim3A_123 : f32 to vector<16xf32>
      %swap3A_125 = arith.constant 80 : index
      %swap3A_126 = tpu.vector_load %arg17[%swap3A_125] {strides = array<i32>} : memref<128xf32, #tpu.memory_space<vmem>>, vector<16xf32>,
      %swap3A_127 = vector.shape_cast %swap3A_126 : vector<16xf32> to vector<16xf32>
      %swap3A_128 = vector.shape_cast %broadcast_in_dim3A_124 : vector<16xf32> to vector<16xf32>
      tpu.vector_store %arg17[%swap3A_125], %swap3A_128 {strides = array<i32>} : memref<128xf32, #tpu.memory_space<vmem>>, vector<16xf32>,
      %broadcast_in_dim3A_129 = arith.constant 1.000000e+00 : f32
      %broadcast_in_dim3A_130 = vector.broadcast %broadcast_in_dim3A_129 : f32 to vector<16xf32>
      %swap3A_131 = arith.constant 96 : index
      %swap3A_132 = tpu.vector_load %arg17[%swap3A_131] {strides = array<i32>} : memref<128xf32, #tpu.memory_space<vmem>>, vector<16xf32>,
      %swap3A_133 = vector.shape_cast %swap3A_132 : vector<16xf32> to vector<16xf32>
      %swap3A_134 = vector.shape_cast %broadcast_in_dim3A_130 : vector<16xf32> to vector<16xf32>
      tpu.vector_store %arg17[%swap3A_131], %swap3A_134 {strides = array<i32>} : memref<128xf32, #tpu.memory_space<vmem>>, vector<16xf32>,
      %broadcast_in_dim3A_135 = arith.constant 1.000000e+00 : f32
      %broadcast_in_dim3A_136 = vector.broadcast %broadcast_in_dim3A_135 : f32 to vector<16xf32>
      %swap3A_137 = arith.constant 112 : index
      %swap3A_138 = tpu.vector_load %arg17[%swap3A_137] {strides = array<i32>} : memref<128xf32, #tpu.memory_space<vmem>>, vector<16xf32>,
      %swap3A_139 = vector.shape_cast %swap3A_138 : vector<16xf32> to vector<16xf32>
      %swap3A_140 = vector.shape_cast %broadcast_in_dim3A_136 : vector<16xf32> to vector<16xf32>
      tpu.vector_store %arg17[%swap3A_137], %swap3A_140 {strides = array<i32>} : memref<128xf32, #tpu.memory_space<vmem>>, vector<16xf32>,
    } else {
    }
    %barrier3A = arith.constant 0 : index
    tpu.barrier barrier_id(%barrier3A)
    %mul3A_3 = arith.constant 10240 : i32
    %mul3A_4 = arith.muli %arg0, %mul3A_3 : i32
    %run_scoped3A = arith.constant 0 : i32
    "tpu.region"() ({
      %run_scoped3A_92 = tpu.sem_alloc : memref<!tpu.dma_semaphore, #tpu.memory_space<semaphore_mem>>
      %dma_start3A_93 = arith.constant 0 : i32
      %dma_start3A_94 = tpu.memref_slice %arg3[%arg1, %run_scoped3A, %dma_start3A_93] : memref<16x158x128xi32, #tpu.memory_space<hbm>> -> memref<1x1x128xi32, #tpu.memory_space<hbm>>
      %dma_start3A_95 = tpu.memref_squeeze %dma_start3A_94 : memref<1x1x128xi32, #tpu.memory_space<hbm>> -> memref<128xi32, #tpu.memory_space<hbm>>
      %dma_start3A_96 = arith.constant 0 : i32
      %dma_start3A_97 = tpu.memref_slice %arg3[%arg1, %run_scoped3A, %dma_start3A_96] : memref<16x158x128xi32, #tpu.memory_space<hbm>> -> memref<1x1x128xi32, #tpu.memory_space<hbm>>
      %dma_start3A_98 = tpu.memref_squeeze %dma_start3A_97 : memref<1x1x128xi32, #tpu.memory_space<hbm>> -> memref<128xi32, #tpu.memory_space<hbm>>
      tpu.enqueue_dma source(%dma_start3A_98 : memref<128xi32, #tpu.memory_space<hbm>>) target(%arg11 : memref<128xi32, #tpu.memory_space<vmem>>) target_semaphore(%run_scoped3A_92 : memref<!tpu.dma_semaphore, #tpu.memory_space<semaphore_mem>>)
      %dma_wait3A = arith.constant 0 : i32
      %dma_wait3A_99 = tpu.memref_slice %arg3[%arg1, %run_scoped3A, %dma_wait3A] : memref<16x158x128xi32, #tpu.memory_space<hbm>> -> memref<1x1x128xi32, #tpu.memory_space<hbm>>
      %dma_wait3A_100 = tpu.memref_squeeze %dma_wait3A_99 : memref<1x1x128xi32, #tpu.memory_space<hbm>> -> memref<128xi32, #tpu.memory_space<hbm>>
      %dma_wait3A_101 = arith.constant 0 : i32
      %dma_wait3A_102 = tpu.memref_slice %arg3[%arg1, %run_scoped3A, %dma_wait3A_101] : memref<16x158x128xi32, #tpu.memory_space<hbm>> -> memref<1x1x128xi32, #tpu.memory_space<hbm>>
      %dma_wait3A_103 = tpu.memref_squeeze %dma_wait3A_102 : memref<1x1x128xi32, #tpu.memory_space<hbm>> -> memref<128xi32, #tpu.memory_space<hbm>>
      tpu.wait_dma2 semaphore(%run_scoped3A_92 : memref<!tpu.dma_semaphore, #tpu.memory_space<semaphore_mem>>) src(%dma_wait3A_103 : memref<128xi32, #tpu.memory_space<hbm>>) dst(%arg11 : memref<128xi32, #tpu.memory_space<vmem>>)
      tpu.yield
    }) : () -> ()
    %run_scoped3A_5 = arith.constant 0 : i32
    "tpu.region"() ({
      %run_scoped3A_92 = tpu.sem_alloc : memref<!tpu.dma_semaphore, #tpu.memory_space<semaphore_mem>>
      %dma_start3A_93 = arith.constant 0 : i32
      %dma_start3A_94 = tpu.memref_slice %arg4[%arg1, %run_scoped3A_5, %dma_start3A_93] : memref<16x158x128xi32, #tpu.memory_space<hbm>> -> memref<1x1x128xi32, #tpu.memory_space<hbm>>
      %dma_start3A_95 = tpu.memref_squeeze %dma_start3A_94 : memref<1x1x128xi32, #tpu.memory_space<hbm>> -> memref<128xi32, #tpu.memory_space<hbm>>
      %dma_start3A_96 = arith.constant 0 : i32
      %dma_start3A_97 = tpu.memref_slice %arg4[%arg1, %run_scoped3A_5, %dma_start3A_96] : memref<16x158x128xi32, #tpu.memory_space<hbm>> -> memref<1x1x128xi32, #tpu.memory_space<hbm>>
      %dma_start3A_98 = tpu.memref_squeeze %dma_start3A_97 : memref<1x1x128xi32, #tpu.memory_space<hbm>> -> memref<128xi32, #tpu.memory_space<hbm>>
      tpu.enqueue_dma source(%dma_start3A_98 : memref<128xi32, #tpu.memory_space<hbm>>) target(%arg12 : memref<128xi32, #tpu.memory_space<vmem>>) target_semaphore(%run_scoped3A_92 : memref<!tpu.dma_semaphore, #tpu.memory_space<semaphore_mem>>)
      %dma_wait3A = arith.constant 0 : i32
      %dma_wait3A_99 = tpu.memref_slice %arg4[%arg1, %run_scoped3A_5, %dma_wait3A] : memref<16x158x128xi32, #tpu.memory_space<hbm>> -> memref<1x1x128xi32, #tpu.memory_space<hbm>>
      %dma_wait3A_100 = tpu.memref_squeeze %dma_wait3A_99 : memref<1x1x128xi32, #tpu.memory_space<hbm>> -> memref<128xi32, #tpu.memory_space<hbm>>
      %dma_wait3A_101 = arith.constant 0 : i32
      %dma_wait3A_102 = tpu.memref_slice %arg4[%arg1, %run_scoped3A_5, %dma_wait3A_101] : memref<16x158x128xi32, #tpu.memory_space<hbm>> -> memref<1x1x128xi32, #tpu.memory_space<hbm>>
      %dma_wait3A_103 = tpu.memref_squeeze %dma_wait3A_102 : memref<1x1x128xi32, #tpu.memory_space<hbm>> -> memref<128xi32, #tpu.memory_space<hbm>>
      tpu.wait_dma2 semaphore(%run_scoped3A_92 : memref<!tpu.dma_semaphore, #tpu.memory_space<semaphore_mem>>) src(%dma_wait3A_103 : memref<128xi32, #tpu.memory_space<hbm>>) dst(%arg12 : memref<128xi32, #tpu.memory_space<vmem>>)
      tpu.yield
    }) : () -> ()
    %get3A = arith.constant 0 : index
    %get3A_6 = tpu.vector_load %arg11[%get3A] {strides = array<i32>} : memref<128xi32, #tpu.memory_space<vmem>>, vector<16xi32>,
    %get3A_7 = vector.shape_cast %get3A_6 : vector<16xi32> to vector<16xi32>
    %add3A = vector.broadcast %mul3A_4 : i32 to vector<16xi32>
    %add3A_8 = arith.addi %get3A_7, %add3A : vector<16xi32>
    %swap3A = arith.constant 0 : index
    %swap3A_9 = tpu.vector_load %arg11[%swap3A] {strides = array<i32>} : memref<128xi32, #tpu.memory_space<vmem>>, vector<16xi32>,
    %swap3A_10 = vector.shape_cast %swap3A_9 : vector<16xi32> to vector<16xi32>
    %swap3A_11 = vector.shape_cast %add3A_8 : vector<16xi32> to vector<16xi32>
    tpu.vector_store %arg11[%swap3A], %swap3A_11 {strides = array<i32>} : memref<128xi32, #tpu.memory_space<vmem>>, vector<16xi32>,
    %get3A_12 = arith.constant 16 : index
    %get3A_13 = tpu.vector_load %arg11[%get3A_12] {strides = array<i32>} : memref<128xi32, #tpu.memory_space<vmem>>, vector<16xi32>,
    %get3A_14 = vector.shape_cast %get3A_13 : vector<16xi32> to vector<16xi32>
    %add3A_15 = vector.broadcast %mul3A_4 : i32 to vector<16xi32>
    %add3A_16 = arith.addi %get3A_14, %add3A_15 : vector<16xi32>
    %swap3A_17 = arith.constant 16 : index
    %swap3A_18 = tpu.vector_load %arg11[%swap3A_17] {strides = array<i32>} : memref<128xi32, #tpu.memory_space<vmem>>, vector<16xi32>,
    %swap3A_19 = vector.shape_cast %swap3A_18 : vector<16xi32> to vector<16xi32>
    %swap3A_20 = vector.shape_cast %add3A_16 : vector<16xi32> to vector<16xi32>
    tpu.vector_store %arg11[%swap3A_17], %swap3A_20 {strides = array<i32>} : memref<128xi32, #tpu.memory_space<vmem>>, vector<16xi32>,
    %get3A_21 = arith.constant 32 : index
    %get3A_22 = tpu.vector_load %arg11[%get3A_21] {strides = array<i32>} : memref<128xi32, #tpu.memory_space<vmem>>, vector<16xi32>,
    %get3A_23 = vector.shape_cast %get3A_22 : vector<16xi32> to vector<16xi32>
    %add3A_24 = vector.broadcast %mul3A_4 : i32 to vector<16xi32>
    %add3A_25 = arith.addi %get3A_23, %add3A_24 : vector<16xi32>
    %swap3A_26 = arith.constant 32 : index
    %swap3A_27 = tpu.vector_load %arg11[%swap3A_26] {strides = array<i32>} : memref<128xi32, #tpu.memory_space<vmem>>, vector<16xi32>,
    %swap3A_28 = vector.shape_cast %swap3A_27 : vector<16xi32> to vector<16xi32>
    %swap3A_29 = vector.shape_cast %add3A_25 : vector<16xi32> to vector<16xi32>
    tpu.vector_store %arg11[%swap3A_26], %swap3A_29 {strides = array<i32>} : memref<128xi32, #tpu.memory_space<vmem>>, vector<16xi32>,
    %get3A_30 = arith.constant 48 : index
    %get3A_31 = tpu.vector_load %arg11[%get3A_30] {strides = array<i32>} : memref<128xi32, #tpu.memory_space<vmem>>, vector<16xi32>,
    %get3A_32 = vector.shape_cast %get3A_31 : vector<16xi32> to vector<16xi32>
    %add3A_33 = vector.broadcast %mul3A_4 : i32 to vector<16xi32>
    %add3A_34 = arith.addi %get3A_32, %add3A_33 : vector<16xi32>
    %swap3A_35 = arith.constant 48 : index
    %swap3A_36 = tpu.vector_load %arg11[%swap3A_35] {strides = array<i32>} : memref<128xi32, #tpu.memory_space<vmem>>, vector<16xi32>,
    %swap3A_37 = vector.shape_cast %swap3A_36 : vector<16xi32> to vector<16xi32>
    %swap3A_38 = vector.shape_cast %add3A_34 : vector<16xi32> to vector<16xi32>
    tpu.vector_store %arg11[%swap3A_35], %swap3A_38 {strides = array<i32>} : memref<128xi32, #tpu.memory_space<vmem>>, vector<16xi32>,
    %get3A_39 = arith.constant 64 : index
    %get3A_40 = tpu.vector_load %arg11[%get3A_39] {strides = array<i32>} : memref<128xi32, #tpu.memory_space<vmem>>, vector<16xi32>,
    %get3A_41 = vector.shape_cast %get3A_40 : vector<16xi32> to vector<16xi32>
    %add3A_42 = vector.broadcast %mul3A_4 : i32 to vector<16xi32>
    %add3A_43 = arith.addi %get3A_41, %add3A_42 : vector<16xi32>
    %swap3A_44 = arith.constant 64 : index
    %swap3A_45 = tpu.vector_load %arg11[%swap3A_44] {strides = array<i32>} : memref<128xi32, #tpu.memory_space<vmem>>, vector<16xi32>,
    %swap3A_46 = vector.shape_cast %swap3A_45 : vector<16xi32> to vector<16xi32>
    %swap3A_47 = vector.shape_cast %add3A_43 : vector<16xi32> to vector<16xi32>
    tpu.vector_store %arg11[%swap3A_44], %swap3A_47 {strides = array<i32>} : memref<128xi32, #tpu.memory_space<vmem>>, vector<16xi32>,
    %get3A_48 = arith.constant 80 : index
    %get3A_49 = tpu.vector_load %arg11[%get3A_48] {strides = array<i32>} : memref<128xi32, #tpu.memory_space<vmem>>, vector<16xi32>,
    %get3A_50 = vector.shape_cast %get3A_49 : vector<16xi32> to vector<16xi32>
    %add3A_51 = vector.broadcast %mul3A_4 : i32 to vector<16xi32>
    %add3A_52 = arith.addi %get3A_50, %add3A_51 : vector<16xi32>
    %swap3A_53 = arith.constant 80 : index
    %swap3A_54 = tpu.vector_load %arg11[%swap3A_53] {strides = array<i32>} : memref<128xi32, #tpu.memory_space<vmem>>, vector<16xi32>,
    %swap3A_55 = vector.shape_cast %swap3A_54 : vector<16xi32> to vector<16xi32>
    %swap3A_56 = vector.shape_cast %add3A_52 : vector<16xi32> to vector<16xi32>
    tpu.vector_store %arg11[%swap3A_53], %swap3A_56 {strides = array<i32>} : memref<128xi32, #tpu.memory_space<vmem>>, vector<16xi32>,
    %get3A_57 = arith.constant 96 : index
    %get3A_58 = tpu.vector_load %arg11[%get3A_57] {strides = array<i32>} : memref<128xi32, #tpu.memory_space<vmem>>, vector<16xi32>,
    %get3A_59 = vector.shape_cast %get3A_58 : vector<16xi32> to vector<16xi32>
    %add3A_60 = vector.broadcast %mul3A_4 : i32 to vector<16xi32>
    %add3A_61 = arith.addi %get3A_59, %add3A_60 : vector<16xi32>
    %swap3A_62 = arith.constant 96 : index
    %swap3A_63 = tpu.vector_load %arg11[%swap3A_62] {strides = array<i32>} : memref<128xi32, #tpu.memory_space<vmem>>, vector<16xi32>,
    %swap3A_64 = vector.shape_cast %swap3A_63 : vector<16xi32> to vector<16xi32>
    %swap3A_65 = vector.shape_cast %add3A_61 : vector<16xi32> to vector<16xi32>
    tpu.vector_store %arg11[%swap3A_62], %swap3A_65 {strides = array<i32>} : memref<128xi32, #tpu.memory_space<vmem>>, vector<16xi32>,
    %get3A_66 = arith.constant 112 : index
    %get3A_67 = tpu.vector_load %arg11[%get3A_66] {strides = array<i32>} : memref<128xi32, #tpu.memory_space<vmem>>, vector<16xi32>,
    %get3A_68 = vector.shape_cast %get3A_67 : vector<16xi32> to vector<16xi32>
    %add3A_69 = vector.broadcast %mul3A_4 : i32 to vector<16xi32>
    %add3A_70 = arith.addi %get3A_68, %add3A_69 : vector<16xi32>
    %swap3A_71 = arith.constant 112 : index
    %swap3A_72 = tpu.vector_load %arg11[%swap3A_71] {strides = array<i32>} : memref<128xi32, #tpu.memory_space<vmem>>, vector<16xi32>,
    %swap3A_73 = vector.shape_cast %swap3A_72 : vector<16xi32> to vector<16xi32>
    %swap3A_74 = vector.shape_cast %add3A_70 : vector<16xi32> to vector<16xi32>
    tpu.vector_store %arg11[%swap3A_71], %swap3A_74 {strides = array<i32>} : memref<128xi32, #tpu.memory_space<vmem>>, vector<16xi32>,
    %dma_start3A = arith.constant 0 : i32
    %dma_start3A_75 = arith.constant 0 : i32
    %dma_start3A_76 = tpu.memref_slice %arg2[%dma_start3A, %dma_start3A_75] : memref<20480x128xf32, #tpu.memory_space<hbm>> -> memref<20480x128xf32, #tpu.memory_space<hbm>>
    tpu.enqueue_indirect_dma source(%dma_start3A_76 : memref<20480x128xf32, #tpu.memory_space<hbm>>) target(%arg13 : memref<128x128xf32, #tpu.memory_space<vmem>>) offsets(%arg11 : memref<128xi32, #tpu.memory_space<vmem>>) semaphore(%arg18 : memref<!tpu.dma_semaphore, #tpu.memory_space<semaphore_mem>>)
    %scan3A = arith.constant 0 : i32
    %scan3A_77 = arith.constant 0 : i32
    %scan3A_78 = arith.constant 79 : i32
    %scan3A_79 = arith.addi %scan3A_77, %scan3A_78 : i32
    %scan3A_80 = arith.constant 1 : i32
    scf.for %scan3A_92 = %scan3A_77 to %scan3A_79 step %scan3A_80  : i32 {
      %mul3A_93 = arith.constant 2 : i32
      %mul3A_94 = arith.muli %scan3A_92, %mul3A_93 : i32
      %add3A_95 = arith.constant 0 : i32
      %add3A_96 = arith.addi %mul3A_94, %add3A_95 : i32
      %add3A_97 = arith.constant 1 : i32
      %add3A_98 = arith.addi %add3A_96, %add3A_97 : i32
      %lt3A = arith.constant 158 : i32
      %lt3A_99 = arith.cmpi slt, %add3A_98, %lt3A : i32
      %convert_element_type3A_100 = arith.extui %lt3A_99 : i1 to i32
      %cond3A_101 = arith.constant 0 : i32
      %cond3A_102 = arith.cmpi ne, %convert_element_type3A_100, %cond3A_101 : i32
      scf.if %cond3A_102 {
        %add3A_127 = arith.constant 1 : i32
        %add3A_128 = arith.addi %add3A_96, %add3A_127 : i32
        "tpu.region"() ({
          %run_scoped3A_204 = tpu.sem_alloc : memref<!tpu.dma_semaphore, #tpu.memory_space<semaphore_mem>>
          %dma_start3A_205 = arith.constant 0 : i32
          %dma_start3A_206 = tpu.memref_slice %arg3[%arg1, %add3A_128, %dma_start3A_205] : memref<16x158x128xi32, #tpu.memory_space<hbm>> -> memref<1x1x128xi32, #tpu.memory_space<hbm>>
          %dma_start3A_207 = tpu.memref_squeeze %dma_start3A_206 : memref<1x1x128xi32, #tpu.memory_space<hbm>> -> memref<128xi32, #tpu.memory_space<hbm>>
          %dma_start3A_208 = arith.constant 0 : i32
          %dma_start3A_209 = tpu.memref_slice %arg3[%arg1, %add3A_128, %dma_start3A_208] : memref<16x158x128xi32, #tpu.memory_space<hbm>> -> memref<1x1x128xi32, #tpu.memory_space<hbm>>
          %dma_start3A_210 = tpu.memref_squeeze %dma_start3A_209 : memref<1x1x128xi32, #tpu.memory_space<hbm>> -> memref<128xi32, #tpu.memory_space<hbm>>
          tpu.enqueue_dma source(%dma_start3A_210 : memref<128xi32, #tpu.memory_space<hbm>>) target(%arg14 : memref<128xi32, #tpu.memory_space<vmem>>) target_semaphore(%run_scoped3A_204 : memref<!tpu.dma_semaphore, #tpu.memory_space<semaphore_mem>>)
          %dma_wait3A_211 = arith.constant 0 : i32
          %dma_wait3A_212 = tpu.memref_slice %arg3[%arg1, %add3A_128, %dma_wait3A_211] : memref<16x158x128xi32, #tpu.memory_space<hbm>> -> memref<1x1x128xi32, #tpu.memory_space<hbm>>
          %dma_wait3A_213 = tpu.memref_squeeze %dma_wait3A_212 : memref<1x1x128xi32, #tpu.memory_space<hbm>> -> memref<128xi32, #tpu.memory_space<hbm>>
          %dma_wait3A_214 = arith.constant 0 : i32
          %dma_wait3A_215 = tpu.memref_slice %arg3[%arg1, %add3A_128, %dma_wait3A_214] : memref<16x158x128xi32, #tpu.memory_space<hbm>> -> memref<1x1x128xi32, #tpu.memory_space<hbm>>
          %dma_wait3A_216 = tpu.memref_squeeze %dma_wait3A_215 : memref<1x1x128xi32, #tpu.memory_space<hbm>> -> memref<128xi32, #tpu.memory_space<hbm>>
          tpu.wait_dma2 semaphore(%run_scoped3A_204 : memref<!tpu.dma_semaphore, #tpu.memory_space<semaphore_mem>>) src(%dma_wait3A_216 : memref<128xi32, #tpu.memory_space<hbm>>) dst(%arg14 : memref<128xi32, #tpu.memory_space<vmem>>)
          tpu.yield
        }) : () -> ()
        "tpu.region"() ({
          %run_scoped3A_204 = tpu.sem_alloc : memref<!tpu.dma_semaphore, #tpu.memory_space<semaphore_mem>>
          %dma_start3A_205 = arith.constant 0 : i32
          %dma_start3A_206 = tpu.memref_slice %arg4[%arg1, %add3A_128, %dma_start3A_205] : memref<16x158x128xi32, #tpu.memory_space<hbm>> -> memref<1x1x128xi32, #tpu.memory_space<hbm>>
          %dma_start3A_207 = tpu.memref_squeeze %dma_start3A_206 : memref<1x1x128xi32, #tpu.memory_space<hbm>> -> memref<128xi32, #tpu.memory_space<hbm>>
          %dma_start3A_208 = arith.constant 0 : i32
          %dma_start3A_209 = tpu.memref_slice %arg4[%arg1, %add3A_128, %dma_start3A_208] : memref<16x158x128xi32, #tpu.memory_space<hbm>> -> memref<1x1x128xi32, #tpu.memory_space<hbm>>
          %dma_start3A_210 = tpu.memref_squeeze %dma_start3A_209 : memref<1x1x128xi32, #tpu.memory_space<hbm>> -> memref<128xi32, #tpu.memory_space<hbm>>
          tpu.enqueue_dma source(%dma_start3A_210 : memref<128xi32, #tpu.memory_space<hbm>>) target(%arg15 : memref<128xi32, #tpu.memory_space<vmem>>) target_semaphore(%run_scoped3A_204 : memref<!tpu.dma_semaphore, #tpu.memory_space<semaphore_mem>>)
          %dma_wait3A_211 = arith.constant 0 : i32
          %dma_wait3A_212 = tpu.memref_slice %arg4[%arg1, %add3A_128, %dma_wait3A_211] : memref<16x158x128xi32, #tpu.memory_space<hbm>> -> memref<1x1x128xi32, #tpu.memory_space<hbm>>
          %dma_wait3A_213 = tpu.memref_squeeze %dma_wait3A_212 : memref<1x1x128xi32, #tpu.memory_space<hbm>> -> memref<128xi32, #tpu.memory_space<hbm>>
          %dma_wait3A_214 = arith.constant 0 : i32
          %dma_wait3A_215 = tpu.memref_slice %arg4[%arg1, %add3A_128, %dma_wait3A_214] : memref<16x158x128xi32, #tpu.memory_space<hbm>> -> memref<1x1x128xi32, #tpu.memory_space<hbm>>
          %dma_wait3A_216 = tpu.memref_squeeze %dma_wait3A_215 : memref<1x1x128xi32, #tpu.memory_space<hbm>> -> memref<128xi32, #tpu.memory_space<hbm>>
          tpu.wait_dma2 semaphore(%run_scoped3A_204 : memref<!tpu.dma_semaphore, #tpu.memory_space<semaphore_mem>>) src(%dma_wait3A_216 : memref<128xi32, #tpu.memory_space<hbm>>) dst(%arg15 : memref<128xi32, #tpu.memory_space<vmem>>)
          tpu.yield
        }) : () -> ()
        %get3A_129 = arith.constant 0 : index
        %get3A_130 = tpu.vector_load %arg14[%get3A_129] {strides = array<i32>} : memref<128xi32, #tpu.memory_space<vmem>>, vector<16xi32>,
        %get3A_131 = vector.shape_cast %get3A_130 : vector<16xi32> to vector<16xi32>
        %add3A_132 = vector.broadcast %mul3A_4 : i32 to vector<16xi32>
        %add3A_133 = arith.addi %get3A_131, %add3A_132 : vector<16xi32>
        %swap3A_134 = arith.constant 0 : index
        %swap3A_135 = tpu.vector_load %arg14[%swap3A_134] {strides = array<i32>} : memref<128xi32, #tpu.memory_space<vmem>>, vector<16xi32>,
        %swap3A_136 = vector.shape_cast %swap3A_135 : vector<16xi32> to vector<16xi32>
        %swap3A_137 = vector.shape_cast %add3A_133 : vector<16xi32> to vector<16xi32>
        tpu.vector_store %arg14[%swap3A_134], %swap3A_137 {strides = array<i32>} : memref<128xi32, #tpu.memory_space<vmem>>, vector<16xi32>,
        %get3A_138 = arith.constant 16 : index
        %get3A_139 = tpu.vector_load %arg14[%get3A_138] {strides = array<i32>} : memref<128xi32, #tpu.memory_space<vmem>>, vector<16xi32>,
        %get3A_140 = vector.shape_cast %get3A_139 : vector<16xi32> to vector<16xi32>
        %add3A_141 = vector.broadcast %mul3A_4 : i32 to vector<16xi32>
        %add3A_142 = arith.addi %get3A_140, %add3A_141 : vector<16xi32>
        %swap3A_143 = arith.constant 16 : index
        %swap3A_144 = tpu.vector_load %arg14[%swap3A_143] {strides = array<i32>} : memref<128xi32, #tpu.memory_space<vmem>>, vector<16xi32>,
        %swap3A_145 = vector.shape_cast %swap3A_144 : vector<16xi32> to vector<16xi32>
        %swap3A_146 = vector.shape_cast %add3A_142 : vector<16xi32> to vector<16xi32>
        tpu.vector_store %arg14[%swap3A_143], %swap3A_146 {strides = array<i32>} : memref<128xi32, #tpu.memory_space<vmem>>, vector<16xi32>,
        %get3A_147 = arith.constant 32 : index
        %get3A_148 = tpu.vector_load %arg14[%get3A_147] {strides = array<i32>} : memref<128xi32, #tpu.memory_space<vmem>>, vector<16xi32>,
        %get3A_149 = vector.shape_cast %get3A_148 : vector<16xi32> to vector<16xi32>
        %add3A_150 = vector.broadcast %mul3A_4 : i32 to vector<16xi32>
        %add3A_151 = arith.addi %get3A_149, %add3A_150 : vector<16xi32>
        %swap3A_152 = arith.constant 32 : index
        %swap3A_153 = tpu.vector_load %arg14[%swap3A_152] {strides = array<i32>} : memref<128xi32, #tpu.memory_space<vmem>>, vector<16xi32>,
        %swap3A_154 = vector.shape_cast %swap3A_153 : vector<16xi32> to vector<16xi32>
        %swap3A_155 = vector.shape_cast %add3A_151 : vector<16xi32> to vector<16xi32>
        tpu.vector_store %arg14[%swap3A_152], %swap3A_155 {strides = array<i32>} : memref<128xi32, #tpu.memory_space<vmem>>, vector<16xi32>,
        %get3A_156 = arith.constant 48 : index
        %get3A_157 = tpu.vector_load %arg14[%get3A_156] {strides = array<i32>} : memref<128xi32, #tpu.memory_space<vmem>>, vector<16xi32>,
        %get3A_158 = vector.shape_cast %get3A_157 : vector<16xi32> to vector<16xi32>
        %add3A_159 = vector.broadcast %mul3A_4 : i32 to vector<16xi32>
        %add3A_160 = arith.addi %get3A_158, %add3A_159 : vector<16xi32>
        %swap3A_161 = arith.constant 48 : index
        %swap3A_162 = tpu.vector_load %arg14[%swap3A_161] {strides = array<i32>} : memref<128xi32, #tpu.memory_space<vmem>>, vector<16xi32>,
        %swap3A_163 = vector.shape_cast %swap3A_162 : vector<16xi32> to vector<16xi32>
        %swap3A_164 = vector.shape_cast %add3A_160 : vector<16xi32> to vector<16xi32>
        tpu.vector_store %arg14[%swap3A_161], %swap3A_164 {strides = array<i32>} : memref<128xi32, #tpu.memory_space<vmem>>, vector<16xi32>,
        %get3A_165 = arith.constant 64 : index
        %get3A_166 = tpu.vector_load %arg14[%get3A_165] {strides = array<i32>} : memref<128xi32, #tpu.memory_space<vmem>>, vector<16xi32>,
        %get3A_167 = vector.shape_cast %get3A_166 : vector<16xi32> to vector<16xi32>
        %add3A_168 = vector.broadcast %mul3A_4 : i32 to vector<16xi32>
        %add3A_169 = arith.addi %get3A_167, %add3A_168 : vector<16xi32>
        %swap3A_170 = arith.constant 64 : index
        %swap3A_171 = tpu.vector_load %arg14[%swap3A_170] {strides = array<i32>} : memref<128xi32, #tpu.memory_space<vmem>>, vector<16xi32>,
        %swap3A_172 = vector.shape_cast %swap3A_171 : vector<16xi32> to vector<16xi32>
        %swap3A_173 = vector.shape_cast %add3A_169 : vector<16xi32> to vector<16xi32>
        tpu.vector_store %arg14[%swap3A_170], %swap3A_173 {strides = array<i32>} : memref<128xi32, #tpu.memory_space<vmem>>, vector<16xi32>,
        %get3A_174 = arith.constant 80 : index
        %get3A_175 = tpu.vector_load %arg14[%get3A_174] {strides = array<i32>} : memref<128xi32, #tpu.memory_space<vmem>>, vector<16xi32>,
        %get3A_176 = vector.shape_cast %get3A_175 : vector<16xi32> to vector<16xi32>
        %add3A_177 = vector.broadcast %mul3A_4 : i32 to vector<16xi32>
        %add3A_178 = arith.addi %get3A_176, %add3A_177 : vector<16xi32>
        %swap3A_179 = arith.constant 80 : index
        %swap3A_180 = tpu.vector_load %arg14[%swap3A_179] {strides = array<i32>} : memref<128xi32, #tpu.memory_space<vmem>>, vector<16xi32>,
        %swap3A_181 = vector.shape_cast %swap3A_180 : vector<16xi32> to vector<16xi32>
        %swap3A_182 = vector.shape_cast %add3A_178 : vector<16xi32> to vector<16xi32>
        tpu.vector_store %arg14[%swap3A_179], %swap3A_182 {strides = array<i32>} : memref<128xi32, #tpu.memory_space<vmem>>, vector<16xi32>,
        %get3A_183 = arith.constant 96 : index
        %get3A_184 = tpu.vector_load %arg14[%get3A_183] {strides = array<i32>} : memref<128xi32, #tpu.memory_space<vmem>>, vector<16xi32>,
        %get3A_185 = vector.shape_cast %get3A_184 : vector<16xi32> to vector<16xi32>
        %add3A_186 = vector.broadcast %mul3A_4 : i32 to vector<16xi32>
        %add3A_187 = arith.addi %get3A_185, %add3A_186 : vector<16xi32>
        %swap3A_188 = arith.constant 96 : index
        %swap3A_189 = tpu.vector_load %arg14[%swap3A_188] {strides = array<i32>} : memref<128xi32, #tpu.memory_space<vmem>>, vector<16xi32>,
        %swap3A_190 = vector.shape_cast %swap3A_189 : vector<16xi32> to vector<16xi32>
        %swap3A_191 = vector.shape_cast %add3A_187 : vector<16xi32> to vector<16xi32>
        tpu.vector_store %arg14[%swap3A_188], %swap3A_191 {strides = array<i32>} : memref<128xi32, #tpu.memory_space<vmem>>, vector<16xi32>,
        %get3A_192 = arith.constant 112 : index
        %get3A_193 = tpu.vector_load %arg14[%get3A_192] {strides = array<i32>} : memref<128xi32, #tpu.memory_space<vmem>>, vector<16xi32>,
        %get3A_194 = vector.shape_cast %get3A_193 : vector<16xi32> to vector<16xi32>
        %add3A_195 = vector.broadcast %mul3A_4 : i32 to vector<16xi32>
        %add3A_196 = arith.addi %get3A_194, %add3A_195 : vector<16xi32>
        %swap3A_197 = arith.constant 112 : index
        %swap3A_198 = tpu.vector_load %arg14[%swap3A_197] {strides = array<i32>} : memref<128xi32, #tpu.memory_space<vmem>>, vector<16xi32>,
        %swap3A_199 = vector.shape_cast %swap3A_198 : vector<16xi32> to vector<16xi32>
        %swap3A_200 = vector.shape_cast %add3A_196 : vector<16xi32> to vector<16xi32>
        tpu.vector_store %arg14[%swap3A_197], %swap3A_200 {strides = array<i32>} : memref<128xi32, #tpu.memory_space<vmem>>, vector<16xi32>,
        %dma_start3A_201 = arith.constant 0 : i32
        %dma_start3A_202 = arith.constant 0 : i32
        %dma_start3A_203 = tpu.memref_slice %arg2[%dma_start3A_201, %dma_start3A_202] : memref<20480x128xf32, #tpu.memory_space<hbm>> -> memref<20480x128xf32, #tpu.memory_space<hbm>>
        tpu.enqueue_indirect_dma source(%dma_start3A_203 : memref<20480x128xf32, #tpu.memory_space<hbm>>) target(%arg16 : memref<128x128xf32, #tpu.memory_space<vmem>>) offsets(%arg14 : memref<128xi32, #tpu.memory_space<vmem>>) semaphore(%arg19 : memref<!tpu.dma_semaphore, #tpu.memory_space<semaphore_mem>>)
      } else {
      }
      %dma_wait3A = arith.constant 0 : i32
      %dma_wait3A_103 = arith.constant 0 : i32
      %dma_wait3A_104 = tpu.memref_slice %arg2[%dma_wait3A, %dma_wait3A_103] : memref<20480x128xf32, #tpu.memory_space<hbm>> -> memref<20480x128xf32, #tpu.memory_space<hbm>>
      tpu.wait_indirect_dma semaphore(%arg18 : memref<!tpu.dma_semaphore, #tpu.memory_space<semaphore_mem>>) src(%dma_wait3A_104 : memref<20480x128xf32, #tpu.memory_space<hbm>>) dst(%arg13 : memref<128x128xf32, #tpu.memory_space<vmem>>)
      %eq3A_105 = arith.constant 0 : i32
      %eq3A_106 = arith.cmpi eq, %arg0, %eq3A_105 : i32
      %convert_element_type3A_107 = arith.extui %eq3A_106 : i1 to i32
      %cond3A_108 = arith.constant 0 : i32
      %cond3A_109 = arith.cmpi ne, %convert_element_type3A_107, %cond3A_108 : i32
      scf.if %cond3A_109 {
        "tpu.region"() ({
          %run_scoped3A_127 = tpu.sem_alloc : memref<!tpu.dma_semaphore, #tpu.memory_space<semaphore_mem>>
          %dma_start3A_128 = arith.constant 0 : i32
          %dma_start3A_129 = tpu.memref_slice %arg10[%dma_start3A_128] : memref<10240xf32, #tpu.memory_space<vmem_shared>> -> memref<10240xf32, #tpu.memory_space<vmem_shared>>
          tpu.enqueue_indirect_dma source(%arg17 : memref<128xf32, #tpu.memory_space<vmem>>) target(%dma_start3A_129 : memref<10240xf32, #tpu.memory_space<vmem_shared>>) offsets(%arg12 : memref<128xi32, #tpu.memory_space<vmem>>) semaphore(%run_scoped3A_127 : memref<!tpu.dma_semaphore, #tpu.memory_space<semaphore_mem>>) {add = true}
          %dma_wait3A_130 = arith.constant 0 : i32
          %dma_wait3A_131 = tpu.memref_slice %arg10[%dma_wait3A_130] : memref<10240xf32, #tpu.memory_space<vmem_shared>> -> memref<10240xf32, #tpu.memory_space<vmem_shared>>
          tpu.wait_indirect_dma semaphore(%run_scoped3A_127 : memref<!tpu.dma_semaphore, #tpu.memory_space<semaphore_mem>>) src(%arg17 : memref<128xf32, #tpu.memory_space<vmem>>) dst(%dma_wait3A_131 : memref<10240xf32, #tpu.memory_space<vmem_shared>>)
          tpu.yield
        }) : () -> ()
      } else {
      }
      "tpu.region"() ({
        %run_scoped3A_127 = tpu.sem_alloc : memref<!tpu.dma_semaphore, #tpu.memory_space<semaphore_mem>>
        %dma_start3A_128 = arith.constant 0 : i32
        %dma_start3A_129 = arith.constant 0 : i32
        %dma_start3A_130 = tpu.memref_slice %arg9[%dma_start3A_128, %dma_start3A_129] : memref<10240x128xf32, #tpu.memory_space<vmem_shared>> -> memref<10240x128xf32, #tpu.memory_space<vmem_shared>>
        tpu.enqueue_indirect_dma source(%arg13 : memref<128x128xf32, #tpu.memory_space<vmem>>) target(%dma_start3A_130 : memref<10240x128xf32, #tpu.memory_space<vmem_shared>>) offsets(%arg12 : memref<128xi32, #tpu.memory_space<vmem>>) semaphore(%run_scoped3A_127 : memref<!tpu.dma_semaphore, #tpu.memory_space<semaphore_mem>>) {add = true}
        %dma_wait3A_131 = arith.constant 0 : i32
        %dma_wait3A_132 = arith.constant 0 : i32
        %dma_wait3A_133 = tpu.memref_slice %arg9[%dma_wait3A_131, %dma_wait3A_132] : memref<10240x128xf32, #tpu.memory_space<vmem_shared>> -> memref<10240x128xf32, #tpu.memory_space<vmem_shared>>
        tpu.wait_indirect_dma semaphore(%run_scoped3A_127 : memref<!tpu.dma_semaphore, #tpu.memory_space<semaphore_mem>>) src(%arg13 : memref<128x128xf32, #tpu.memory_space<vmem>>) dst(%dma_wait3A_133 : memref<10240x128xf32, #tpu.memory_space<vmem_shared>>)
        tpu.yield
      }) : () -> ()
      %add3A_110 = arith.constant 1 : i32
      %add3A_111 = arith.addi %mul3A_94, %add3A_110 : i32
      %add3A_112 = arith.constant 1 : i32
      %add3A_113 = arith.addi %add3A_111, %add3A_112 : i32
      %lt3A_114 = arith.constant 158 : i32
      %lt3A_115 = arith.cmpi slt, %add3A_113, %lt3A_114 : i32
      %convert_element_type3A_116 = arith.extui %lt3A_115 : i1 to i32
      %cond3A_117 = arith.constant 0 : i32
      %cond3A_118 = arith.cmpi ne, %convert_element_type3A_116, %cond3A_117 : i32
      scf.if %cond3A_118 {
        %add3A_127 = arith.constant 1 : i32
        %add3A_128 = arith.addi %add3A_111, %add3A_127 : i32
        "tpu.region"() ({
          %run_scoped3A_204 = tpu.sem_alloc : memref<!tpu.dma_semaphore, #tpu.memory_space<semaphore_mem>>
          %dma_start3A_205 = arith.constant 0 : i32
          %dma_start3A_206 = tpu.memref_slice %arg3[%arg1, %add3A_128, %dma_start3A_205] : memref<16x158x128xi32, #tpu.memory_space<hbm>> -> memref<1x1x128xi32, #tpu.memory_space<hbm>>
          %dma_start3A_207 = tpu.memref_squeeze %dma_start3A_206 : memref<1x1x128xi32, #tpu.memory_space<hbm>> -> memref<128xi32, #tpu.memory_space<hbm>>
          %dma_start3A_208 = arith.constant 0 : i32
          %dma_start3A_209 = tpu.memref_slice %arg3[%arg1, %add3A_128, %dma_start3A_208] : memref<16x158x128xi32, #tpu.memory_space<hbm>> -> memref<1x1x128xi32, #tpu.memory_space<hbm>>
          %dma_start3A_210 = tpu.memref_squeeze %dma_start3A_209 : memref<1x1x128xi32, #tpu.memory_space<hbm>> -> memref<128xi32, #tpu.memory_space<hbm>>
          tpu.enqueue_dma source(%dma_start3A_210 : memref<128xi32, #tpu.memory_space<hbm>>) target(%arg11 : memref<128xi32, #tpu.memory_space<vmem>>) target_semaphore(%run_scoped3A_204 : memref<!tpu.dma_semaphore, #tpu.memory_space<semaphore_mem>>)
          %dma_wait3A_211 = arith.constant 0 : i32
          %dma_wait3A_212 = tpu.memref_slice %arg3[%arg1, %add3A_128, %dma_wait3A_211] : memref<16x158x128xi32, #tpu.memory_space<hbm>> -> memref<1x1x128xi32, #tpu.memory_space<hbm>>
          %dma_wait3A_213 = tpu.memref_squeeze %dma_wait3A_212 : memref<1x1x128xi32, #tpu.memory_space<hbm>> -> memref<128xi32, #tpu.memory_space<hbm>>
          %dma_wait3A_214 = arith.constant 0 : i32
          %dma_wait3A_215 = tpu.memref_slice %arg3[%arg1, %add3A_128, %dma_wait3A_214] : memref<16x158x128xi32, #tpu.memory_space<hbm>> -> memref<1x1x128xi32, #tpu.memory_space<hbm>>
          %dma_wait3A_216 = tpu.memref_squeeze %dma_wait3A_215 : memref<1x1x128xi32, #tpu.memory_space<hbm>> -> memref<128xi32, #tpu.memory_space<hbm>>
          tpu.wait_dma2 semaphore(%run_scoped3A_204 : memref<!tpu.dma_semaphore, #tpu.memory_space<semaphore_mem>>) src(%dma_wait3A_216 : memref<128xi32, #tpu.memory_space<hbm>>) dst(%arg11 : memref<128xi32, #tpu.memory_space<vmem>>)
          tpu.yield
        }) : () -> ()
        "tpu.region"() ({
          %run_scoped3A_204 = tpu.sem_alloc : memref<!tpu.dma_semaphore, #tpu.memory_space<semaphore_mem>>
          %dma_start3A_205 = arith.constant 0 : i32
          %dma_start3A_206 = tpu.memref_slice %arg4[%arg1, %add3A_128, %dma_start3A_205] : memref<16x158x128xi32, #tpu.memory_space<hbm>> -> memref<1x1x128xi32, #tpu.memory_space<hbm>>
          %dma_start3A_207 = tpu.memref_squeeze %dma_start3A_206 : memref<1x1x128xi32, #tpu.memory_space<hbm>> -> memref<128xi32, #tpu.memory_space<hbm>>
          %dma_start3A_208 = arith.constant 0 : i32
          %dma_start3A_209 = tpu.memref_slice %arg4[%arg1, %add3A_128, %dma_start3A_208] : memref<16x158x128xi32, #tpu.memory_space<hbm>> -> memref<1x1x128xi32, #tpu.memory_space<hbm>>
          %dma_start3A_210 = tpu.memref_squeeze %dma_start3A_209 : memref<1x1x128xi32, #tpu.memory_space<hbm>> -> memref<128xi32, #tpu.memory_space<hbm>>
          tpu.enqueue_dma source(%dma_start3A_210 : memref<128xi32, #tpu.memory_space<hbm>>) target(%arg12 : memref<128xi32, #tpu.memory_space<vmem>>) target_semaphore(%run_scoped3A_204 : memref<!tpu.dma_semaphore, #tpu.memory_space<semaphore_mem>>)
          %dma_wait3A_211 = arith.constant 0 : i32
          %dma_wait3A_212 = tpu.memref_slice %arg4[%arg1, %add3A_128, %dma_wait3A_211] : memref<16x158x128xi32, #tpu.memory_space<hbm>> -> memref<1x1x128xi32, #tpu.memory_space<hbm>>
          %dma_wait3A_213 = tpu.memref_squeeze %dma_wait3A_212 : memref<1x1x128xi32, #tpu.memory_space<hbm>> -> memref<128xi32, #tpu.memory_space<hbm>>
          %dma_wait3A_214 = arith.constant 0 : i32
          %dma_wait3A_215 = tpu.memref_slice %arg4[%arg1, %add3A_128, %dma_wait3A_214] : memref<16x158x128xi32, #tpu.memory_space<hbm>> -> memref<1x1x128xi32, #tpu.memory_space<hbm>>
          %dma_wait3A_216 = tpu.memref_squeeze %dma_wait3A_215 : memref<1x1x128xi32, #tpu.memory_space<hbm>> -> memref<128xi32, #tpu.memory_space<hbm>>
          tpu.wait_dma2 semaphore(%run_scoped3A_204 : memref<!tpu.dma_semaphore, #tpu.memory_space<semaphore_mem>>) src(%dma_wait3A_216 : memref<128xi32, #tpu.memory_space<hbm>>) dst(%arg12 : memref<128xi32, #tpu.memory_space<vmem>>)
          tpu.yield
        }) : () -> ()
        %get3A_129 = arith.constant 0 : index
        %get3A_130 = tpu.vector_load %arg11[%get3A_129] {strides = array<i32>} : memref<128xi32, #tpu.memory_space<vmem>>, vector<16xi32>,
        %get3A_131 = vector.shape_cast %get3A_130 : vector<16xi32> to vector<16xi32>
        %add3A_132 = vector.broadcast %mul3A_4 : i32 to vector<16xi32>
        %add3A_133 = arith.addi %get3A_131, %add3A_132 : vector<16xi32>
        %swap3A_134 = arith.constant 0 : index
        %swap3A_135 = tpu.vector_load %arg11[%swap3A_134] {strides = array<i32>} : memref<128xi32, #tpu.memory_space<vmem>>, vector<16xi32>,
        %swap3A_136 = vector.shape_cast %swap3A_135 : vector<16xi32> to vector<16xi32>
        %swap3A_137 = vector.shape_cast %add3A_133 : vector<16xi32> to vector<16xi32>
        tpu.vector_store %arg11[%swap3A_134], %swap3A_137 {strides = array<i32>} : memref<128xi32, #tpu.memory_space<vmem>>, vector<16xi32>,
        %get3A_138 = arith.constant 16 : index
        %get3A_139 = tpu.vector_load %arg11[%get3A_138] {strides = array<i32>} : memref<128xi32, #tpu.memory_space<vmem>>, vector<16xi32>,
        %get3A_140 = vector.shape_cast %get3A_139 : vector<16xi32> to vector<16xi32>
        %add3A_141 = vector.broadcast %mul3A_4 : i32 to vector<16xi32>
        %add3A_142 = arith.addi %get3A_140, %add3A_141 : vector<16xi32>
        %swap3A_143 = arith.constant 16 : index
        %swap3A_144 = tpu.vector_load %arg11[%swap3A_143] {strides = array<i32>} : memref<128xi32, #tpu.memory_space<vmem>>, vector<16xi32>,
        %swap3A_145 = vector.shape_cast %swap3A_144 : vector<16xi32> to vector<16xi32>
        %swap3A_146 = vector.shape_cast %add3A_142 : vector<16xi32> to vector<16xi32>
        tpu.vector_store %arg11[%swap3A_143], %swap3A_146 {strides = array<i32>} : memref<128xi32, #tpu.memory_space<vmem>>, vector<16xi32>,
        %get3A_147 = arith.constant 32 : index
        %get3A_148 = tpu.vector_load %arg11[%get3A_147] {strides = array<i32>} : memref<128xi32, #tpu.memory_space<vmem>>, vector<16xi32>,
        %get3A_149 = vector.shape_cast %get3A_148 : vector<16xi32> to vector<16xi32>
        %add3A_150 = vector.broadcast %mul3A_4 : i32 to vector<16xi32>
        %add3A_151 = arith.addi %get3A_149, %add3A_150 : vector<16xi32>
        %swap3A_152 = arith.constant 32 : index
        %swap3A_153 = tpu.vector_load %arg11[%swap3A_152] {strides = array<i32>} : memref<128xi32, #tpu.memory_space<vmem>>, vector<16xi32>,
        %swap3A_154 = vector.shape_cast %swap3A_153 : vector<16xi32> to vector<16xi32>
        %swap3A_155 = vector.shape_cast %add3A_151 : vector<16xi32> to vector<16xi32>
        tpu.vector_store %arg11[%swap3A_152], %swap3A_155 {strides = array<i32>} : memref<128xi32, #tpu.memory_space<vmem>>, vector<16xi32>,
        %get3A_156 = arith.constant 48 : index
        %get3A_157 = tpu.vector_load %arg11[%get3A_156] {strides = array<i32>} : memref<128xi32, #tpu.memory_space<vmem>>, vector<16xi32>,
        %get3A_158 = vector.shape_cast %get3A_157 : vector<16xi32> to vector<16xi32>
        %add3A_159 = vector.broadcast %mul3A_4 : i32 to vector<16xi32>
        %add3A_160 = arith.addi %get3A_158, %add3A_159 : vector<16xi32>
        %swap3A_161 = arith.constant 48 : index
        %swap3A_162 = tpu.vector_load %arg11[%swap3A_161] {strides = array<i32>} : memref<128xi32, #tpu.memory_space<vmem>>, vector<16xi32>,
        %swap3A_163 = vector.shape_cast %swap3A_162 : vector<16xi32> to vector<16xi32>
        %swap3A_164 = vector.shape_cast %add3A_160 : vector<16xi32> to vector<16xi32>
        tpu.vector_store %arg11[%swap3A_161], %swap3A_164 {strides = array<i32>} : memref<128xi32, #tpu.memory_space<vmem>>, vector<16xi32>,
        %get3A_165 = arith.constant 64 : index
        %get3A_166 = tpu.vector_load %arg11[%get3A_165] {strides = array<i32>} : memref<128xi32, #tpu.memory_space<vmem>>, vector<16xi32>,
        %get3A_167 = vector.shape_cast %get3A_166 : vector<16xi32> to vector<16xi32>
        %add3A_168 = vector.broadcast %mul3A_4 : i32 to vector<16xi32>
        %add3A_169 = arith.addi %get3A_167, %add3A_168 : vector<16xi32>
        %swap3A_170 = arith.constant 64 : index
        %swap3A_171 = tpu.vector_load %arg11[%swap3A_170] {strides = array<i32>} : memref<128xi32, #tpu.memory_space<vmem>>, vector<16xi32>,
        %swap3A_172 = vector.shape_cast %swap3A_171 : vector<16xi32> to vector<16xi32>
        %swap3A_173 = vector.shape_cast %add3A_169 : vector<16xi32> to vector<16xi32>
        tpu.vector_store %arg11[%swap3A_170], %swap3A_173 {strides = array<i32>} : memref<128xi32, #tpu.memory_space<vmem>>, vector<16xi32>,
        %get3A_174 = arith.constant 80 : index
        %get3A_175 = tpu.vector_load %arg11[%get3A_174] {strides = array<i32>} : memref<128xi32, #tpu.memory_space<vmem>>, vector<16xi32>,
        %get3A_176 = vector.shape_cast %get3A_175 : vector<16xi32> to vector<16xi32>
        %add3A_177 = vector.broadcast %mul3A_4 : i32 to vector<16xi32>
        %add3A_178 = arith.addi %get3A_176, %add3A_177 : vector<16xi32>
        %swap3A_179 = arith.constant 80 : index
        %swap3A_180 = tpu.vector_load %arg11[%swap3A_179] {strides = array<i32>} : memref<128xi32, #tpu.memory_space<vmem>>, vector<16xi32>,
        %swap3A_181 = vector.shape_cast %swap3A_180 : vector<16xi32> to vector<16xi32>
        %swap3A_182 = vector.shape_cast %add3A_178 : vector<16xi32> to vector<16xi32>
        tpu.vector_store %arg11[%swap3A_179], %swap3A_182 {strides = array<i32>} : memref<128xi32, #tpu.memory_space<vmem>>, vector<16xi32>,
        %get3A_183 = arith.constant 96 : index
        %get3A_184 = tpu.vector_load %arg11[%get3A_183] {strides = array<i32>} : memref<128xi32, #tpu.memory_space<vmem>>, vector<16xi32>,
        %get3A_185 = vector.shape_cast %get3A_184 : vector<16xi32> to vector<16xi32>
        %add3A_186 = vector.broadcast %mul3A_4 : i32 to vector<16xi32>
        %add3A_187 = arith.addi %get3A_185, %add3A_186 : vector<16xi32>
        %swap3A_188 = arith.constant 96 : index
        %swap3A_189 = tpu.vector_load %arg11[%swap3A_188] {strides = array<i32>} : memref<128xi32, #tpu.memory_space<vmem>>, vector<16xi32>,
        %swap3A_190 = vector.shape_cast %swap3A_189 : vector<16xi32> to vector<16xi32>
        %swap3A_191 = vector.shape_cast %add3A_187 : vector<16xi32> to vector<16xi32>
        tpu.vector_store %arg11[%swap3A_188], %swap3A_191 {strides = array<i32>} : memref<128xi32, #tpu.memory_space<vmem>>, vector<16xi32>,
        %get3A_192 = arith.constant 112 : index
        %get3A_193 = tpu.vector_load %arg11[%get3A_192] {strides = array<i32>} : memref<128xi32, #tpu.memory_space<vmem>>, vector<16xi32>,
        %get3A_194 = vector.shape_cast %get3A_193 : vector<16xi32> to vector<16xi32>
        %add3A_195 = vector.broadcast %mul3A_4 : i32 to vector<16xi32>
        %add3A_196 = arith.addi %get3A_194, %add3A_195 : vector<16xi32>
        %swap3A_197 = arith.constant 112 : index
        %swap3A_198 = tpu.vector_load %arg11[%swap3A_197] {strides = array<i32>} : memref<128xi32, #tpu.memory_space<vmem>>, vector<16xi32>,
        %swap3A_199 = vector.shape_cast %swap3A_198 : vector<16xi32> to vector<16xi32>
        %swap3A_200 = vector.shape_cast %add3A_196 : vector<16xi32> to vector<16xi32>
        tpu.vector_store %arg11[%swap3A_197], %swap3A_200 {strides = array<i32>} : memref<128xi32, #tpu.memory_space<vmem>>, vector<16xi32>,
        %dma_start3A_201 = arith.constant 0 : i32
        %dma_start3A_202 = arith.constant 0 : i32
        %dma_start3A_203 = tpu.memref_slice %arg2[%dma_start3A_201, %dma_start3A_202] : memref<20480x128xf32, #tpu.memory_space<hbm>> -> memref<20480x128xf32, #tpu.memory_space<hbm>>
        tpu.enqueue_indirect_dma source(%dma_start3A_203 : memref<20480x128xf32, #tpu.memory_space<hbm>>) target(%arg13 : memref<128x128xf32, #tpu.memory_space<vmem>>) offsets(%arg11 : memref<128xi32, #tpu.memory_space<vmem>>) semaphore(%arg18 : memref<!tpu.dma_semaphore, #tpu.memory_space<semaphore_mem>>)
      } else {
      }
      %dma_wait3A_119 = arith.constant 0 : i32
      %dma_wait3A_120 = arith.constant 0 : i32
      %dma_wait3A_121 = tpu.memref_slice %arg2[%dma_wait3A_119, %dma_wait3A_120] : memref<20480x128xf32, #tpu.memory_space<hbm>> -> memref<20480x128xf32, #tpu.memory_space<hbm>>
      tpu.wait_indirect_dma semaphore(%arg19 : memref<!tpu.dma_semaphore, #tpu.memory_space<semaphore_mem>>) src(%dma_wait3A_121 : memref<20480x128xf32, #tpu.memory_space<hbm>>) dst(%arg16 : memref<128x128xf32, #tpu.memory_space<vmem>>)
      %eq3A_122 = arith.constant 0 : i32
      %eq3A_123 = arith.cmpi eq, %arg0, %eq3A_122 : i32
      %convert_element_type3A_124 = arith.extui %eq3A_123 : i1 to i32
      %cond3A_125 = arith.constant 0 : i32
      %cond3A_126 = arith.cmpi ne, %convert_element_type3A_124, %cond3A_125 : i32
      scf.if %cond3A_126 {
        "tpu.region"() ({
          %run_scoped3A_127 = tpu.sem_alloc : memref<!tpu.dma_semaphore, #tpu.memory_space<semaphore_mem>>
          %dma_start3A_128 = arith.constant 0 : i32
          %dma_start3A_129 = tpu.memref_slice %arg10[%dma_start3A_128] : memref<10240xf32, #tpu.memory_space<vmem_shared>> -> memref<10240xf32, #tpu.memory_space<vmem_shared>>
          tpu.enqueue_indirect_dma source(%arg17 : memref<128xf32, #tpu.memory_space<vmem>>) target(%dma_start3A_129 : memref<10240xf32, #tpu.memory_space<vmem_shared>>) offsets(%arg15 : memref<128xi32, #tpu.memory_space<vmem>>) semaphore(%run_scoped3A_127 : memref<!tpu.dma_semaphore, #tpu.memory_space<semaphore_mem>>) {add = true}
          %dma_wait3A_130 = arith.constant 0 : i32
          %dma_wait3A_131 = tpu.memref_slice %arg10[%dma_wait3A_130] : memref<10240xf32, #tpu.memory_space<vmem_shared>> -> memref<10240xf32, #tpu.memory_space<vmem_shared>>
          tpu.wait_indirect_dma semaphore(%run_scoped3A_127 : memref<!tpu.dma_semaphore, #tpu.memory_space<semaphore_mem>>) src(%arg17 : memref<128xf32, #tpu.memory_space<vmem>>) dst(%dma_wait3A_131 : memref<10240xf32, #tpu.memory_space<vmem_shared>>)
          tpu.yield
        }) : () -> ()
      } else {
      }
      "tpu.region"() ({
        %run_scoped3A_127 = tpu.sem_alloc : memref<!tpu.dma_semaphore, #tpu.memory_space<semaphore_mem>>
        %dma_start3A_128 = arith.constant 0 : i32
        %dma_start3A_129 = arith.constant 0 : i32
        %dma_start3A_130 = tpu.memref_slice %arg9[%dma_start3A_128, %dma_start3A_129] : memref<10240x128xf32, #tpu.memory_space<vmem_shared>> -> memref<10240x128xf32, #tpu.memory_space<vmem_shared>>
        tpu.enqueue_indirect_dma source(%arg16 : memref<128x128xf32, #tpu.memory_space<vmem>>) target(%dma_start3A_130 : memref<10240x128xf32, #tpu.memory_space<vmem_shared>>) offsets(%arg15 : memref<128xi32, #tpu.memory_space<vmem>>) semaphore(%run_scoped3A_127 : memref<!tpu.dma_semaphore, #tpu.memory_space<semaphore_mem>>) {add = true}
        %dma_wait3A_131 = arith.constant 0 : i32
        %dma_wait3A_132 = arith.constant 0 : i32
        %dma_wait3A_133 = tpu.memref_slice %arg9[%dma_wait3A_131, %dma_wait3A_132] : memref<10240x128xf32, #tpu.memory_space<vmem_shared>> -> memref<10240x128xf32, #tpu.memory_space<vmem_shared>>
        tpu.wait_indirect_dma semaphore(%run_scoped3A_127 : memref<!tpu.dma_semaphore, #tpu.memory_space<semaphore_mem>>) src(%arg16 : memref<128x128xf32, #tpu.memory_space<vmem>>) dst(%dma_wait3A_133 : memref<10240x128xf32, #tpu.memory_space<vmem_shared>>)
        tpu.yield
      }) : () -> ()
    }
    %scan3A_81 = arith.constant 79 : i32
    %barrier3A_82 = arith.constant 0 : index
    tpu.barrier barrier_id(%barrier3A_82)
    %mul3A_83 = arith.constant 640 : i32
    %mul3A_84 = arith.muli %arg1, %mul3A_83 : i32
    %mul3A_85 = arith.constant 640 : i32
    %mul3A_86 = arith.muli %arg1, %mul3A_85 : i32
    "tpu.region"() ({
      %run_scoped3A_92 = tpu.sem_alloc : memref<!tpu.dma_semaphore, #tpu.memory_space<semaphore_mem>>
      %dma_start3A_93 = arith.constant 0 : i32
      %dma_start3A_94 = tpu.memref_slice %arg7[%arg0, %mul3A_86, %dma_start3A_93] : memref<2x10240x128xf32, #tpu.memory_space<hbm>> -> memref<1x640x128xf32, #tpu.memory_space<hbm>>
      %dma_start3A_95 = tpu.memref_squeeze %dma_start3A_94 : memref<1x640x128xf32, #tpu.memory_space<hbm>> -> memref<640x128xf32, #tpu.memory_space<hbm>>
      %dma_start3A_96 = arith.constant 0 : i32
      %dma_start3A_97 = tpu.memref_slice %arg9[%mul3A_84, %dma_start3A_96] : memref<10240x128xf32, #tpu.memory_space<vmem_shared>> -> memref<640x128xf32, #tpu.memory_space<vmem_shared>>
      tpu.enqueue_dma source(%dma_start3A_97 : memref<640x128xf32, #tpu.memory_space<vmem_shared>>) target(%dma_start3A_95 : memref<640x128xf32, #tpu.memory_space<hbm>>) target_semaphore(%run_scoped3A_92 : memref<!tpu.dma_semaphore, #tpu.memory_space<semaphore_mem>>)
      %dma_wait3A = arith.constant 0 : i32
      %dma_wait3A_98 = tpu.memref_slice %arg7[%arg0, %mul3A_86, %dma_wait3A] : memref<2x10240x128xf32, #tpu.memory_space<hbm>> -> memref<1x640x128xf32, #tpu.memory_space<hbm>>
      %dma_wait3A_99 = tpu.memref_squeeze %dma_wait3A_98 : memref<1x640x128xf32, #tpu.memory_space<hbm>> -> memref<640x128xf32, #tpu.memory_space<hbm>>
      %dma_wait3A_100 = arith.constant 0 : i32
      %dma_wait3A_101 = tpu.memref_slice %arg9[%mul3A_84, %dma_wait3A_100] : memref<10240x128xf32, #tpu.memory_space<vmem_shared>> -> memref<640x128xf32, #tpu.memory_space<vmem_shared>>
      tpu.wait_dma2 semaphore(%run_scoped3A_92 : memref<!tpu.dma_semaphore, #tpu.memory_space<semaphore_mem>>) src(%dma_wait3A_101 : memref<640x128xf32, #tpu.memory_space<vmem_shared>>) dst(%dma_wait3A_99 : memref<640x128xf32, #tpu.memory_space<hbm>>)
      tpu.yield
    }) : () -> ()
    %eq3A_87 = arith.constant 0 : i32
    %eq3A_88 = arith.cmpi eq, %arg0, %eq3A_87 : i32
    %convert_element_type3A_89 = arith.extui %eq3A_88 : i1 to i32
    %cond3A_90 = arith.constant 0 : i32
    %cond3A_91 = arith.cmpi ne, %convert_element_type3A_89, %cond3A_90 : i32
    scf.if %cond3A_91 {
      %mul3A_92 = arith.constant 640 : i32
      %mul3A_93 = arith.muli %arg1, %mul3A_92 : i32
      %mul3A_94 = arith.constant 640 : i32
      %mul3A_95 = arith.muli %arg1, %mul3A_94 : i32
      "tpu.region"() ({
        %run_scoped3A_96 = tpu.sem_alloc : memref<!tpu.dma_semaphore, #tpu.memory_space<semaphore_mem>>
        %dma_start3A_97 = tpu.memref_slice %arg8[%mul3A_95] : memref<10240xf32, #tpu.memory_space<hbm>> -> memref<640xf32, #tpu.memory_space<hbm>>
        %dma_start3A_98 = tpu.memref_slice %arg10[%mul3A_93] : memref<10240xf32, #tpu.memory_space<vmem_shared>> -> memref<640xf32, #tpu.memory_space<vmem_shared>>
        tpu.enqueue_dma source(%dma_start3A_98 : memref<640xf32, #tpu.memory_space<vmem_shared>>) target(%dma_start3A_97 : memref<640xf32, #tpu.memory_space<hbm>>) target_semaphore(%run_scoped3A_96 : memref<!tpu.dma_semaphore, #tpu.memory_space<semaphore_mem>>)
        %dma_wait3A = tpu.memref_slice %arg8[%mul3A_95] : memref<10240xf32, #tpu.memory_space<hbm>> -> memref<640xf32, #tpu.memory_space<hbm>>
        %dma_wait3A_99 = tpu.memref_slice %arg10[%mul3A_93] : memref<10240xf32, #tpu.memory_space<vmem_shared>> -> memref<640xf32, #tpu.memory_space<vmem_shared>>
        tpu.wait_dma2 semaphore(%run_scoped3A_96 : memref<!tpu.dma_semaphore, #tpu.memory_space<semaphore_mem>>) src(%dma_wait3A_99 : memref<640xf32, #tpu.memory_space<vmem_shared>>) dst(%dma_wait3A : memref<640xf32, #tpu.memory_space<hbm>>)
        tpu.yield
      }) : () -> ()
    } else {
    }
    return
  }
}

</mosaic_0001>

<sc_bundles>
// kernel: _seg_call.3.cloned.1.call-start
scs
__scs_entry_jumppad:
0x0: {  	(pc) =	sbr.rel $0x88, $3  }
0x1: {  	(tag) =	ssettag $0x0;
	lr =	simm.s32 $0x1  }
0x2: {  	[smem:$0x3F9D] =	sst lr;
	_ =	strace $0xD0000000  }
0x3: {  	_ = 	snop  }
0x4: {  	_ = 	snop  }
0x5: {  	_ = 	snop  }
0x6: {  	_ = 	snop  }
0x7: {  	_ = 	snop  }
__scs_overlays_trampoline_lowered:
0x8: {  	[smem:$0x3FAC] =	sst s0  }
0x9: {  	[smem:$0x3FAD] =	sst s1  }
0xa: {  	[smem:$0x3FAE] =	sst s2  }
0xb: {  	[smem:$0x3FAF] =	sst s3  }
0xc: {  	[smem:$0x3FB0] =	sst s4  }
0xd: {  	[smem:$0x3FB1] =	sst s5  }
0xe: {  	[smem:$0x3FB2] =	sst s6  }
0xf: {  	[smem:$0x3FB3] =	sst s7  }
0x10: {  	[smem:$0x3FB4] =	sst s8  }
0x11: {  	[smem:$0x3FB5] =	sst s9;
	s0 =	simm.s32 @!p0 $0x0  }
0x12: {  	s1 =	sld [smem:$0x3F9B];
	s0 =	simm.s32 @p0 $0x1  }
0x13: {  	[smem:$0x3FB6] =	sst s0;
	s0 =	simm.s32 @!p1 $0x0  }
0x14: {  	s2 =	sld [smem:$0x3F9A];
	s0 =	simm.s32 @p1 $0x1  }
0x15: {  	[smem:$0x3FB7] =	sst s0;
	s0 =	simm.s32 @!p2 $0x0  }
0x16: {  	s3 =	sld [smem:$0x3FDB];
	s0 =	simm.s32 @p2 $0x1  }
0x17: {  	s4 =	simm.s32 $0x1BF5;
	[smem:$0x3FB9] =	sst s0  }
0x18: {  	s0 =	sld [smem:$0x3F9C];
	_ =	swait.ge [sflag:s4], $0x0  }
0x19: {  	s7 =	sld [smem:$0x3F9D]  }
0x1a: {  	s8 =	sadd.s32 $0xFFFFE003, lr  }
0x1b: {  	s9 =	sadd.s32 $0xFFFFFEF7, lr;
	s5 =	simm.s32 $0xFFFFFFFF;
	p2 =	slt.u32 s8, $0xFFFFF086  }
0x1c: {  	p1 =	slt.u32 s9, $0xF7A;
	s5 =	simm.s32 @!p2 $0x0  }
0x1d: {  	s5 =	simm.s32 @p1 $0x1;
	p0 =	seq.s32 s7, s2  }
0x1e: {  	s7 =	smul.u32 @!p0 $0xF7A, s2;
	p2 =	seq.s32 @!p0 s5, $0x0  }
0x1f: {  	s9 =	smul.u32 $0xF7A, s1;
	s8 =	simm.s32 @!p0 $0x1BF5;
	p2 =	por !p2, p0  }
0x20: {  	[sflag:s8] =	ssyncset.s32 @!p0 $0xFFFFF086;
	s6 =	sadd.s32 @!p0 s3, s7;
	s7 =	simm.s32 @!p0 $0x108  }
0x21: {  	s3 =	sadd.s32 s3, s9;
	s6 =	sadd.s32 @!p0 $0x88, s6;
	s7 =	simm.s32 @p2 $0x1082  }
0x22: {  	[simem:s7], [sflag:s8] =	dma.local @!p0 [hbm:s6], $0xF7A  }
0x23: {  	s9 =	sor.u32 $0xD0000000, s2;
	s6 =	simm.s32 $0x108;
	_ =	swait.ge @!p0 [sflag:s8], $0x0  }
0x24: {  	s3 =	sadd.s32 $0x88, s3;
	s6 =	simm.s32 @!p1 $0x1082;
	[sflag:s4] =	ssyncset.s32 $0xFFFFF086  }
0x25: {  	[simem:s6], [sflag:s4] =	dma.local [hbm:s3], $0xF7A  }
0x26: {  	[smem:$0x3F9D] =	sst s1;
	(tag) =	ssettag s2;
	_ =	strace s9  }
0x27: {  	s1 =	sld [smem:$0x3FAD]  }
0x28: {  	s2 =	sld [smem:$0x3FAE]  }
0x29: {  	s4 =	sld [smem:$0x3FB0]  }
0x2a: {  	p0 =	seq.s32 s5, $0x0;
	s5 =	sld [smem:$0x3FB1]  }
0x2b: {  	s6 =	sld [smem:$0x3FB2]  }
0x2c: {  	s7 =	sld [smem:$0x3FB3]  }
0x2d: {  	s3 =	simm.s32 $0x108;
	s8 =	sld [smem:$0x3FB4]  }
0x2e: {  	s3 =	simm.s32 @!p0 $0x1082;
	s9 =	sld [smem:$0x3FB5]  }
0x2f: {  	lr =	sadd.s32 s0, s3;
	s0 =	sld [smem:$0x3FAC]  }
0x30: {  	s3 =	sld [smem:$0x3FAF]  }
0x31: {  	[smem:$0x3FB8] =	sst s10  }
0x32: {  	s10 =	sld [smem:$0x3FB6];
	_ =	sdelay $0x3  }
0x33: {  	p0 =	seq.s32 s10, $0x1;
	s10 =	sld [smem:$0x3FB8];
	_ =	sdelay $0x3  }
0x34: {  	[smem:$0x3FB8] =	sst s10  }
0x35: {  	s10 =	sld [smem:$0x3FB7];
	_ =	sdelay $0x3  }
0x36: {  	p1 =	seq.s32 s10, $0x1;
	s10 =	sld [smem:$0x3FB8];
	_ =	sdelay $0x3  }
0x37: {  	[smem:$0x3FB8] =	sst s10  }
0x38: {  	s10 =	sld [smem:$0x3FB9]  }
0x39: {  	_ = 	snop;
	(pc) =	sbr.ind lr, $3  }
0x3a: {  	_ = 	snop  }
0x3b: {  	_ = 	snop  }
0x3c: {  	p2 =	seq.s32 s10, $0x1;
	s10 =	sld [smem:$0x3FB8]  }
0x3d: {  	_ =	shalt  }
0x3e: {  	_ =	shalt  }
0x3f: {  	_ =	shalt  }
0x40: {  	_ =	shalt  }
0x41: {  	_ =	shalt  }
0x42: {  	_ =	shalt  }
0x43: {  	_ =	shalt  }
0x44: {  	_ =	shalt  }
0x45: {  	_ =	shalt  }
0x46: {  	_ =	shalt  }
0x47: {  	_ =	shalt  }
0x48: {  	_ =	shalt  }
0x49: {  	_ =	shalt  }
0x4a: {  	_ =	shalt  }
0x4b: {  	_ =	shalt  }
0x4c: {  	_ =	shalt  }
0x4d: {  	_ =	shalt  }
0x4e: {  	_ =	shalt  }
0x4f: {  	_ =	shalt  }
0x50: {  	_ =	shalt  }
0x51: {  	_ =	shalt  }
0x52: {  	_ =	shalt  }
0x53: {  	_ =	shalt  }
0x54: {  	_ =	shalt  }
0x55: {  	_ =	shalt  }
0x56: {  	_ =	shalt  }
0x57: {  	_ =	shalt  }
0x58: {  	_ =	shalt  }
0x59: {  	_ =	shalt  }
0x5a: {  	_ =	shalt  }
0x5b: {  	_ =	shalt  }
0x5c: {  	_ =	shalt  }
0x5d: {  	_ =	shalt  }
0x5e: {  	_ =	shalt  }
0x5f: {  	_ =	shalt  }
0x60: {  	_ =	shalt  }
0x61: {  	_ =	shalt  }
0x62: {  	_ =	shalt  }
0x63: {  	_ =	shalt  }
0x64: {  	_ =	shalt  }
0x65: {  	_ =	shalt  }
0x66: {  	_ =	shalt  }
0x67: {  	_ =	shalt  }
0x68: {  	_ =	shalt  }
0x69: {  	_ =	shalt  }
0x6a: {  	_ =	shalt  }
0x6b: {  	_ =	shalt  }
0x6c: {  	_ =	shalt  }
0x6d: {  	_ =	shalt  }
0x6e: {  	_ =	shalt  }
0x6f: {  	_ =	shalt  }
0x70: {  	_ =	shalt  }
0x71: {  	_ =	shalt  }
0x72: {  	_ =	shalt  }
0x73: {  	_ =	shalt  }
0x74: {  	_ =	shalt  }
0x75: {  	_ =	shalt  }
0x76: {  	_ =	shalt  }
0x77: {  	_ =	shalt  }
0x78: {  	_ =	shalt  }
0x79: {  	_ =	shalt  }
0x7a: {  	_ =	shalt  }
0x7b: {  	_ =	shalt  }
0x7c: {  	_ =	shalt  }
0x7d: {  	_ =	shalt  }
0x7e: {  	_ =	shalt  }
0x7f: {  	_ =	shalt  }
0x80: {  	_ =	shalt  }
0x81: {  	_ =	shalt  }
0x82: {  	_ =	shalt  }
0x83: {  	_ =	shalt  }
0x84: {  	_ =	shalt  }
0x85: {  	_ =	shalt  }
0x86: {  	_ =	shalt  }
0x87: {  	_ =	shalt  }
.Lfunc_end0:
.L_simem_size_0:
called_computation_lowered:
.L_overlay_start_0:
0x88: {  	s2 =	sld [smem:$0x3FD9]  }
0x89: {  	s3 =	sld [smem:$0x3FFE];
	_ =	sdelay $0x1  }
0x8a: {  	s1 =	srdreg.scid  }
0x8b: {  	s0 =	sand.u32 $0x1, s1  }
0x8c: {  	s14 =	sshll.u32 s0, $0xA;
	s2 =	sadd.s32 s3, s2  }
0x8d: {  	s2 =	sadd.s32 s2, s14  }
0x8e: {  	[smem:$0x3FC4] =	sst s2  }
0x8f: {  	_ = 	snop  }
0x90: {  	s2 =	sld [smem:$0x3FD0];
	_ =	sdelay $0x1  }
0x91: {  	s15 =	sld [smem:$0x3FC9]  }
0x92: {  	s5 =	simm.s32 $0xA;
	s6 =	simm.s32 $0x10;
	s4 =	sld [smem:$0x3FC6]  }
0x93: {  	[smem:s6], [sflag:s5] =	dma.local [hbm:s2], $0x1  }
0x94: {  	_ =	swait.eq [sflag:s5], $0x1  }
0x95: {  	[sflag:s5] =	ssyncset.done $0x0  }
0x96: {  	s16 =	sld [smem:$0x10];
	[sflag:s5] =	ssyncadd.s32 $0xFFFFFFFF  }
0x97: {  	s17 =	sld [smem:$0x11];
	(tm) =	ssettm $0x1  }
0x98: {  	s18 =	sld [smem:$0x3FFB];
	_ =	sdelay $0x3  }
0x99: {  	_ =	strace s18  }
0x9a: {  	s6 =	sld [smem:$0x3FFC];
	_ =	sdelay $0x3  }
0x9b: {  	_ =	strace s6  }
0x9c: {  	s6 =	sld [smem:$0x3FFD];
	_ =	sdelay $0x3  }
0x9d: {  	_ =	strace s6  }
0x9e: {  	_ =	strace $0x8FFFFFFF  }
0x9f: {  	s19 =	sld [smem:$0x3FDB];
	_ =	sdelay $0x1  }
0xa0: {  	s7 =	simm.s32 $_scs_section_size  }
0xa1: {  	s8 =	simm.s32 $_size__tile_overlayer_lowered;
	s9 =	simm.s32 $_tile_overlayer_lowered  }
0xa2: {  	s22 =	simm.s32 $0x1BFF;
	s21 =	sshll.u32 s9, $0x1;
	s6 =	sadd.s32 s7, s19  }
0xa3: {  	s10 =	simm.s32 $0x0;
	s20 =	sshll.u32 s8, $0x1;
	s8 =	sadd.s32 s21, s6  }
0xa4: {  	[timem:s10], [sflag:s22] =	dma.local [hbm:s8], s20  }
0xa5: {  	_ =	swait.ge [sflag:s22], s20  }
0xa6: {  	s7 =	ssub.s32 $0x0, s20;
	[sflag:s22] =	ssyncset.done $0x0  }
0xa7: {  	[sflag:s22] =	ssyncadd.s32 s7;
	_ =	sdelay $0x1  }
0xa8: {  	s23 =	simm.s32 $0x1B8B  }
0xa9: {  	_ =	swait.ge [sflag:s23], $0x1  }
0xaa: {  	[sflag:s23] =	ssyncset.done $0x0  }
0xab: {  	s25 =	simm.s32 $0x1B8E;
	s24 =	sld [smem:$0x3FFE];
	[sflag:s23] =	ssyncadd.s32 $0xFFFFFFFF  }
0xac: {  	s26 =	simm.s32 $execute0_lowered;
	[smem:$0x3FD2] =	sst s25  }
0xad: {  	s8 =	sshll.u32 s26, $0x1;
	_ =	strace $0x80000046;
	[dreg:$0x1] =	wrdreg $0xFFFFFFFF  }
0xae: {  	s28 =	simm.s32 $_size_execute0_lowered;
	s6 =	sadd.s32 s6, s8;
	[dreg:$0x0] =	wrdreg $0x0  }
0xaf: {  	s8 =	sshll.u32 s28, $0x1;
	[dreg:$0x2] =	wrdreg s6  }
0xb0: {  	[dreg:$0x3] =	wrdreg s8  }
0xb1: {  	[dreg:$0x4] =	wrdreg $0xC0  }
0xb2: {  	_ =	task [dreg:s10], $0x5FFFF  }
0xb3: {  	[dreg:$0x1] =	wrdreg $0xFFFFFFFF  }
0xb4: {  	[dreg:$0x0] =	wrdreg $0x60  }
0xb5: {  	[dreg:$0x2] =	wrdreg s15  }
0xb6: {  	[dreg:$0x3] =	wrdreg s24  }
0xb7: {  	[dreg:$0x4] =	wrdreg s4  }
0xb8: {  	[dreg:$0x5] =	wrdreg s16  }
0xb9: {  	[dreg:$0x6] =	wrdreg s17  }
0xba: {  	[dreg:$0x7] =	wrdreg $0x0  }
0xbb: {  	[dreg:$0x8] =	wrdreg $0x140000  }
0xbc: {  	[dreg:$0x9] =	wrdreg $0x9  }
0xbd: {  	_ =	task.clear_ibuf [dreg:s10], $0xAFFFF;
	_ =	strace $0x90000046  }
0xbe: {  	s29 =	simm.s32 $0x9;
	_ =	strace $0x80000048  }
0xbf: {  	_ =	swait.ge [sflag:s29], $0x1  }
0xc0: {  	[sflag:s29] =	ssyncadd.s32 $0xFFFFFFFF  }
0xc1: {  	_ =	strace $0x90000048  }
0xc2: {  	_ =	sfence  }
0xc3: {  	s30 =	sld [smem:$0x0];
	_ =	sdelay $0x2  }
0xc4: {  	s31 =	sshll.u32 s1, $0xD;
	s1 =	sshrl.u32 s1, $0x2  }
0xc5: {  	s3 =	sand.u32 $0x4000, s31;
	s1 =	sadd.s32 s1, s30  }
0xc6: {  	s0 =	sor.u32 s3, s0;
	s1 =	sshll.u32 s1, $0x11  }
0xc7: {  	s0 =	sor.u32 s1, s0  }
0xc8: {  	s0 =	sadd.s32 $0x8F2B, s0  }
0xc9: {  	[sflag:s0] =	ssyncadd.remote.s32 $0x1  }
0xca: {  	_ =	sfence.sel $0xFFFF  }
0xcb: {  	[dreg:$0x0] =	wrdreg $0xFFFFFFFF;
	(pc) =	sbr.abs _section_cstart, $3  }
0xcc: {  	[dreg:$0x1] =	wrdreg $0xFFFFFFFF  }
0xcd: {  	_ =	task.clear_ibuf [dreg:s10], $0x2FFFF;
	_ =	strace $0x9FFFFFFF  }
0xce: {  	(tm) =	ssettm $0x7FFFFFFF  }
0xcf: {  	_ =	shalt  }
tec
execute0_lowered:
.L_overlay_start_1:
0x0: {  	(tag) =	ssettag $0x1  }
0x1: {  	s0 =	rddreg [dreg:$0x0]  }
0x2: {  	s1 =	rddreg [dreg:$0x1]  }
0x3: {  	s2 =	rddreg [dreg:$0x3]  }
0x4: {  	s5 =	rddreg [dreg:$0x4]  }
0x5: {  	s3 =	rddreg [dreg:$0x5]  }
0x6: {  	s4 =	rddreg [dreg:$0x6]  }
0x7: {  	s6 =	simm.s32 $0x0;
	s7 =	srdreg.scid;
	s15 =	stileid.u32  }
0x8: {  	s18 =	simm.s32 $0x3;
	s28 =	simm.s32 $0x1;
	s29 =	simm.s32 $0x2  }
0x9: {  	s30 =	simm.s32 $0x0;
	[smem:$0x7FF] =	sst s6;
	s12 =	smul.u32 $0x280, s15  }
0xa: {  	s10 =	sand.u32 $0x1, s7;
	s7 =	sadd.s32 $0x800, s1;
	s13 =	smul.u32 $0x50000, s15  }
0xb: {  	s8 =	sadd.s32 $0xA800, s1;
	s9 =	smul.u32 $0x5000, s15;
	s1 =	sadd.s32 $0x14800, s1  }
0xc: {  	s24 =	sshll.u32 s15, $0x6;
	s15 =	smul.u32 $0x14000, s15;
	_ =	strace $0x80000047  }
0xd: {  	s11 =	ssub.s32 $0x2, s10;
	[dreg:$0x8] =	wrdreg s1;
	s22 =	smul.u32 $0x140000, s10  }
0xe: {  	s20 =	smul.u32 $0x2800, s10;
	p0 =	sne.s32 s10, $0x0;
	s14 =	sshrl.u32 s11, $0x1  }
0xf: {  	s23 =	sshrl.u32 s13, $0x2;
	s13 =	sadd.s32 s12, s4;
	s16 =	sshrl.u32 s9, $0x3  }
0x10: {  	s12 =	sshrl.u32 s12, $0x3;
	s21 =	ssub.s32 s11, s14;
	s25 =	sadd.s32 s7, s16  }
0x11: {  	s17 =	sadd.s32 s23, s3;
	s26 =	sadd.s32 s8, s16;
	[dreg:$0xa] =	wrdreg s25  }
0x12: {  	s11 =	sor.u32 $0x1C03, s24;
	s31 =	sadd.s32 s5, s12;
	[dreg:$0xb] =	wrdreg s26  }
0x13: {  	s14 =	sadd.s32 s15, s22;
	s10 =	sshrl.u32 @!p0 s13, $0x3;
	[dreg:$0xd] =	wrdreg s31  }
0x14: {  	s22 =	simm.s32 $0x80;
	s23 =	simm.s32 $0x14380;
	[dreg:$0x9] =	wrdreg s11  }
0x15: {  	s24 =	simm.s32 $0x18380;
	s1 =	smax.u32 s21, $0x1;
	[dreg:$0x10] =	wrdreg s10  }
0x16: {  	s14 =	sshrl.u32 s14, $0x3;
	s5 =	sshrl.u32 s17, $0x3;
	[dreg:$0xe] =	wrdreg s1  }
0x17: {  	s21 =	simm.s32 $0x14300;
	s2 =	sadd.s32 s2, s14;
	[dreg:$0xf] =	wrdreg s5  }
0x18: {  	v0 =	vmov s20;
	s25 =	simm.s32 $0x18400;
	s26 =	simm.s32 $0x18480;
	[dreg:$0xc] =	wrdreg s2  }
.LBB2_1:
0x19: {  	s1 =	rddreg [dreg:$0x2]  }
0x1a: {  	[spmem:s5], [sflag:s11] =	dma.local [hbm:s1], $0x2800  }
0x1b: {  	_ =	swait.ge [sflag:s18], $0x2800  }
0x1c: {  	[sflag:s18] =	ssyncset.done $0x0  }
0x1d: {  	s31 =	simm.s32 @!p0 $0x3;
	s1 =	rddreg [dreg:$0x8];
	[sflag:s18] =	ssyncadd.s32 $0xFFFFD800  }
0x1e: {  	[spmem:s10], [sflag:s11] =	dma.local @!p0 [hbm:s1], $0x50  }
0x1f: {  	_ =	swait.ge @!p0 [sflag:s31], $0x50  }
0x20: {  	[sflag:s31] =	ssyncset.done @!p0 $0x0  }
0x21: {  	v1 =	vimm.f32 @!p0 $1.000000000e+00;
	[sflag:s31] =	ssyncadd.s32 @!p0 $0xFFFFFFB0  }
0x22: {  	[tilespmem:$0x1C480] =	vst @!p0 v1  }
0x23: {  	[tilespmem:$0x1C490] =	vst @!p0 v1  }
0x24: {  	[tilespmem:$0x1C4A0] =	vst @!p0 v1  }
0x25: {  	[tilespmem:$0x1C4B0] =	vst @!p0 v1  }
0x26: {  	[tilespmem:$0x1C4C0] =	vst @!p0 v1  }
0x27: {  	[tilespmem:$0x1C4D0] =	vst @!p0 v1  }
0x28: {  	[tilespmem:$0x1C4E0] =	vst @!p0 v1  }
0x29: {  	[tilespmem:$0x1C4F0] =	vst @!p0 v1  }
0x2a: {  	[bflag:$0x0] =	sbarrier.arrive $0xFFFF  }
0x2b: {  	s2 =	simm.s32 $0x14280;
	s16 =	rddreg [dreg:$0xa]  }
0x2c: {  	[tilespmem:s2], [sflag:$0x3] =	stream.linear.gather [hbm4b:s16+s6], $0x80, $0x38;
	[tilespmem:$0x1C500] =	vst v63  }
0x2d: {  	_ =	swait.ge [sflag:s18], $0x80  }
0x2e: {  	[sflag:s18] =	ssyncset.done $0x0  }
0x2f: {  	s17 =	rddreg [dreg:$0xb];
	[sflag:s18] =	ssyncadd.s32 $0xFFFFFF80  }
0x30: {  	[tilespmem:s21], [sflag:$0x3] =	stream.linear.gather [hbm4b:s17+s6], $0x80, $0x38;
	[tilespmem:$0x1C500] =	vst v63  }
0x31: {  	_ =	swait.ge [sflag:s18], $0x80  }
0x32: {  	[sflag:s18] =	ssyncset.done $0x0  }
0x33: {  	[sflag:s18] =	ssyncadd.s32 $0xFFFFFF80  }
0x34: {  	v1 =	vld [tilespmem:$0x14280]  }
0x35: {  	v2 =	vld [tilespmem:$0x14290]  }
0x36: {  	v3 =	vld [tilespmem:$0x142A0]  }
0x37: {  	v4 =	vld [tilespmem:$0x142B0]  }
0x38: {  	v5 =	vld [tilespmem:$0x142C0]  }
0x39: {  	v6 =	vld [tilespmem:$0x142D0];
	v1 =	vadd.s32 v0, v1  }
0x3a: {  	[tilespmem:$0x14280] =	vst v1;
	v1 =	vadd.s32 v0, v2;
	v2 =	vld [tilespmem:$0x142E0]  }
0x3b: {  	[tilespmem:$0x14290] =	vst v1;
	v1 =	vadd.s32 v0, v3;
	v3 =	vld [tilespmem:$0x142F0]  }
0x3c: {  	[tilespmem:$0x142A0] =	vst v1;
	v1 =	vadd.s32 v0, v4  }
0x3d: {  	s19 =	sand.u32 $0x7C00, s6;
	[tilespmem:$0x142B0] =	vst v1;
	v1 =	vadd.s32 v0, v5  }
0x3e: {  	s20 =	sand.u32 $0x300, s6;
	s1 =	sadd.s32 s9, s19;
	[tilespmem:$0x142C0] =	vst v1;
	v1 =	vadd.s32 v0, v6  }
0x3f: {  	s1 =	sor.u32 s1, s20;
	[tilespmem:$0x142D0] =	vst v1;
	v1 =	vadd.s32 v0, v2  }
0x40: {  	s1 =	sor.u32 $0x80, s1;
	[tilespmem:$0x142E0] =	vst v1;
	v1 =	vadd.s32 v0, v3  }
0x41: {  	s13 =	sshrl.u32 s1, $0x3;
	[tilespmem:$0x142F0] =	vst v1  }
0x42: {  	[tilespmem:s23], [sflag:$0x1] =	stream.indirect.gather [hbm4b:s0+s22], $0x80, s2, s22, $0xb8;
	[tilespmem:$0x1C500] =	vst v63  }
0x43: {  	s1 =	sadd.s32 s7, s13  }
0x44: {  	[tilespmem:s24], [sflag:$0x3] =	stream.linear.gather [hbm4b:s1+s6], $0x80, $0x38;
	[tilespmem:$0x1C500] =	vst v63  }
0x45: {  	s10 =	simm.s32 $0x100;
	s2 =	simm.s32 $0x0;
	_ =	swait.ge [sflag:s18], $0x80  }
.LBB2_2:
0x46: {  	[sflag:s18] =	ssyncset.done $0x0;
	s14 =	smov.u32 s10;
	s10 =	sadd.s32 $0x100, s10  }
0x47: {  	s1 =	sadd.s32 s8, s13;
	p1 =	sne.s32 s10, $0x4F00;
	[sflag:s18] =	ssyncadd.s32 $0xFFFFFF80  }
0x48: {  	[tilespmem:s25], [sflag:$0x3] =	stream.linear.gather [hbm4b:s1+s6], $0x80, $0x38;
	[tilespmem:$0x1C500] =	vst v63  }
0x49: {  	_ =	swait.ge [sflag:s18], $0x80  }
0x4a: {  	[sflag:s18] =	ssyncset.done $0x0  }
0x4b: {  	[sflag:s18] =	ssyncadd.s32 $0xFFFFFF80  }
0x4c: {  	v1 =	vld [tilespmem:$0x183E0]  }
0x4d: {  	v2 =	vld [tilespmem:$0x183D0]  }
0x4e: {  	v3 =	vld [tilespmem:$0x183A0]  }
0x4f: {  	v4 =	vld [tilespmem:$0x183B0]  }
0x50: {  	v5 =	vld [tilespmem:$0x183F0]  }
0x51: {  	v6 =	vld [tilespmem:$0x18380];
	v1 =	vadd.s32 v0, v1  }
0x52: {  	v7 =	vld [tilespmem:$0x183C0];
	v2 =	vadd.s32 v0, v2;
	[tilespmem:$0x183E0] =	vst v1  }
0x53: {  	v1 =	vld [tilespmem:$0x18390];
	v3 =	vadd.s32 v0, v3;
	[tilespmem:$0x183D0] =	vst v2  }
0x54: {  	[tilespmem:$0x183A0] =	vst v3;
	v2 =	vadd.s32 v0, v4  }
0x55: {  	[tilespmem:$0x183B0] =	vst v2;
	v2 =	vadd.s32 v0, v5  }
0x56: {  	v3 =	vadd.s32 v0, v6;
	[tilespmem:$0x183F0] =	vst v2  }
0x57: {  	[tilespmem:$0x18380] =	vst v3;
	v2 =	vadd.s32 v0, v7  }
0x58: {  	v1 =	vadd.s32 v0, v1;
	[tilespmem:$0x183C0] =	vst v2  }
0x59: {  	[tilespmem:$0x18390] =	vst v1  }
0x5a: {  	[tilespmem:s26], [sflag:$0x2] =	stream.indirect.gather [hbm4b:s0+s22], $0x80, s24, s22, $0xb8;
	[tilespmem:$0x1C500] =	vst v63  }
0x5b: {  	_ =	swait.ge [sflag:s28], $0x4000  }
0x5c: {  	s5 =	sand.u32 $0x7C00, s14;
	s1 =	simm.s32 @!p0 $0x1C480;
	[sflag:s28] =	ssyncset.done $0x0  }
0x5d: {  	s12 =	sand.u32 $0x300, s14;
	s5 =	sadd.s32 s9, s5;
	[sflag:s28] =	ssyncadd.s32 $0xFFFFC000  }
0x5e: {  	s13 =	sor.u32 s5, s12;
	s5 =	simm.s32 @!p0 $0x80;
	s12 =	simm.s32 @!p0 $0x14300  }
0x5f: {  	[spmem:s4] =	stream.indirect.scatter.add.f32 @!p0 [tilespmem:s1], [sflag:$0x3], $0x1, s12, s5, $0xb8;
	[tilespmem:$0x1C500] =	vst v63  }
0x60: {  	p2 =	seq.s32 s2, $0x4E00;
	s13 =	sor.u32 $0x80, s13;
	_ =	swait.ge @!p0 [sflag:s31], $0x80  }
0x61: {  	s2 =	sadd.s32 @!p2 $0x100, s2;
	s13 =	sshrl.u32 s13, $0x3;
	[sflag:s31] =	ssyncset.done @!p0 $0x0  }
0x62: {  	s15 =	sand.u32 @!p2 $0xFC00, s2;
	s20 =	sadd.s32 s7, s13;
	[sflag:s31] =	ssyncadd.s32 @!p0 $0xFFFFFF80  }
0x63: {  	[spmem:s3] =	stream.indirect.scatter.add.f32 [tilespmem:s23], [sflag:$0x3], $0x80, s21, s22, $0xb8;
	[tilespmem:$0x1C500] =	vst v63  }
0x64: {  	s2 =	sand.u32 @!p2 $0x300, s2;
	s15 =	sadd.s32 @!p2 s9, s15;
	_ =	swait.ge [sflag:s18], $0x4000  }
0x65: {  	s2 =	sor.u32 @!p2 s2, s15;
	s15 =	simm.s32 @!p2 $0x3;
	[sflag:s18] =	ssyncset.done $0x0  }
0x66: {  	s16 =	simm.s32 @!p2 $0x0;
	s2 =	sshrl.u32 @!p2 s2, $0x3;
	[sflag:s18] =	ssyncadd.s32 $0xFFFFC000  }
0x67: {  	s19 =	simm.s32 @!p2 $0x14280;
	s17 =	sadd.s32 @!p2 s7, s2;
	s11 =	sadd.s32 @!p2 s8, s2  }
0x68: {  	[tilespmem:s19], [sflag:$0x3] =	stream.linear.gather @!p2 [hbm4b:s17+s16], $0x80, $0x38;
	[tilespmem:$0x1C500] =	vst v63  }
0x69: {  	s2 =	smov.u32 s14;
	_ =	swait.ge @!p2 [sflag:s15], $0x80  }
0x6a: {  	[sflag:s15] =	ssyncset.done @!p2 $0x0  }
0x6b: {  	s14 =	simm.s32 @!p2 $0x14300;
	[sflag:s15] =	ssyncadd.s32 @!p2 $0xFFFFFF80  }
0x6c: {  	[tilespmem:s14], [sflag:$0x3] =	stream.linear.gather @!p2 [hbm4b:s11+s16], $0x80, $0x38;
	[tilespmem:$0x1C500] =	vst v63  }
0x6d: {  	_ =	swait.ge @!p2 [sflag:s15], $0x80  }
0x6e: {  	[sflag:s15] =	ssyncset.done @!p2 $0x0  }
0x6f: {  	[sflag:s15] =	ssyncadd.s32 @!p2 $0xFFFFFF80  }
0x70: {  	v1 =	vld @!p2 [tilespmem:$0x14280]  }
0x71: {  	v2 =	vld @!p2 [tilespmem:$0x14290]  }
0x72: {  	v3 =	vld @!p2 [tilespmem:$0x142A0]  }
0x73: {  	v4 =	vld @!p2 [tilespmem:$0x142D0]  }
0x74: {  	v5 =	vld @!p2 [tilespmem:$0x142B0]  }
0x75: {  	v1 =	vadd.s32 @!p2 v0, v1;
	v6 =	vld @!p2 [tilespmem:$0x142E0]  }
0x76: {  	[tilespmem:$0x14280] =	vst @!p2 v1;
	v1 =	vadd.s32 @!p2 v0, v2;
	v2 =	vld @!p2 [tilespmem:$0x142F0]  }
0x77: {  	[tilespmem:$0x14290] =	vst @!p2 v1;
	v1 =	vadd.s32 @!p2 v0, v3;
	v3 =	vld @!p2 [tilespmem:$0x142C0]  }
0x78: {  	[tilespmem:$0x142A0] =	vst @!p2 v1;
	v1 =	vadd.s32 @!p2 v0, v4  }
0x79: {  	v4 =	vadd.s32 @!p2 v0, v5;
	[tilespmem:$0x142D0] =	vst @!p2 v1  }
0x7a: {  	[tilespmem:$0x142B0] =	vst @!p2 v4;
	v1 =	vadd.s32 @!p2 v0, v6  }
0x7b: {  	[tilespmem:$0x142E0] =	vst @!p2 v1;
	v1 =	vadd.s32 @!p2 v0, v2  }
0x7c: {  	s11 =	simm.s32 @!p2 $0x80;
	s14 =	simm.s32 @!p2 $0x14380;
	v2 =	vadd.s32 @!p2 v0, v3;
	[tilespmem:$0x142F0] =	vst @!p2 v1  }
0x7d: {  	[tilespmem:$0x142C0] =	vst @!p2 v2  }
0x7e: {  	[tilespmem:s14], [sflag:$0x1] =	stream.indirect.gather @!p2 [hbm4b:s0+s11], $0x80, s19, s11, $0xb8;
	[tilespmem:$0x1C500] =	vst v63  }
0x7f: {  	_ =	swait.ge [sflag:s29], $0x4000  }
0x80: {  	s14 =	simm.s32 @!p0 $0x18400;
	[sflag:s29] =	ssyncset.done $0x0  }
0x81: {  	[sflag:s29] =	ssyncadd.s32 $0xFFFFC000  }
0x82: {  	[spmem:s4] =	stream.indirect.scatter.add.f32 @!p0 [tilespmem:s1], [sflag:$0x3], $0x1, s14, s5, $0xb8;
	[tilespmem:$0x1C500] =	vst v63  }
0x83: {  	_ =	swait.ge @!p0 [sflag:s31], $0x80  }
0x84: {  	[sflag:s31] =	ssyncset.done @!p0 $0x0  }
0x85: {  	[sflag:s31] =	ssyncadd.s32 @!p0 $0xFFFFFF80  }
0x86: {  	[spmem:s3] =	stream.indirect.scatter.add.f32 [tilespmem:s26], [sflag:$0x3], $0x80, s25, s22, $0xb8;
	[tilespmem:$0x1C500] =	vst v63  }
.Ltmp0:
0x87: {  	_ =	swait.ge [sflag:s18], $0x4000;
	(pc) =	sbr.rel @p1 .LBB2_2-.Ltmp0, $4  }
0x88: {  	[sflag:s18] =	ssyncset.done $0x0  }
0x89: {  	[sflag:s18] =	ssyncadd.s32 $0xFFFFC000  }
0x8a: {  	[tilespmem:s24], [sflag:$0x3] =	stream.linear.gather [hbm4b:s20+s6], $0x80, $0x38;
	[tilespmem:$0x1C500] =	vst v63  }
0x8b: {  	_ =	swait.ge [sflag:s18], $0x80  }
0x8c: {  	[sflag:s18] =	ssyncset.done $0x0  }
0x8d: {  	s10 =	sadd.s32 s8, s13;
	[sflag:s18] =	ssyncadd.s32 $0xFFFFFF80  }
0x8e: {  	[tilespmem:s25], [sflag:$0x3] =	stream.linear.gather [hbm4b:s10+s6], $0x80, $0x38;
	[tilespmem:$0x1C500] =	vst v63  }
0x8f: {  	_ =	swait.ge [sflag:s18], $0x80  }
0x90: {  	[sflag:s18] =	ssyncset.done $0x0  }
0x91: {  	[sflag:s18] =	ssyncadd.s32 $0xFFFFFF80  }
0x92: {  	v1 =	vld [tilespmem:$0x183E0]  }
0x93: {  	v2 =	vld [tilespmem:$0x183D0]  }
0x94: {  	v3 =	vld [tilespmem:$0x183A0]  }
0x95: {  	v4 =	vld [tilespmem:$0x183B0]  }
0x96: {  	v6 =	vld [tilespmem:$0x18380]  }
0x97: {  	v5 =	vld [tilespmem:$0x183F0];
	v1 =	vadd.s32 v0, v1  }
0x98: {  	v7 =	vld [tilespmem:$0x183C0];
	v2 =	vadd.s32 v0, v2;
	[tilespmem:$0x183E0] =	vst v1  }
0x99: {  	v3 =	vadd.s32 v0, v3;
	v1 =	vld [tilespmem:$0x18390];
	[tilespmem:$0x183D0] =	vst v2  }
0x9a: {  	[tilespmem:$0x183A0] =	vst v3;
	v2 =	vadd.s32 v0, v4  }
0x9b: {  	v3 =	vadd.s32 v0, v6;
	[tilespmem:$0x183B0] =	vst v2  }
0x9c: {  	v2 =	vadd.s32 v0, v5;
	[tilespmem:$0x18380] =	vst v3  }
0x9d: {  	[tilespmem:$0x183F0] =	vst v2;
	v2 =	vadd.s32 v0, v7  }
0x9e: {  	[tilespmem:$0x183C0] =	vst v2;
	v1 =	vadd.s32 v0, v1  }
0x9f: {  	[tilespmem:$0x18390] =	vst v1  }
0xa0: {  	[tilespmem:s26], [sflag:$0x2] =	stream.indirect.gather [hbm4b:s0+s22], $0x80, s24, s22, $0xb8;
	[tilespmem:$0x1C500] =	vst v63  }
0xa1: {  	_ =	swait.ge [sflag:s28], $0x4000  }
0xa2: {  	[sflag:s28] =	ssyncset.done $0x0  }
0xa3: {  	p1 =	seq.s32 s2, $0x4E00;
	[sflag:s28] =	ssyncadd.s32 $0xFFFFC000  }
0xa4: {  	[spmem:s4] =	stream.indirect.scatter.add.f32 @!p0 [tilespmem:s1], [sflag:$0x3], $0x1, s12, s5, $0xb8;
	[tilespmem:$0x1C500] =	vst v63  }
0xa5: {  	s2 =	sadd.s32 @!p1 $0x100, s2;
	_ =	swait.ge @!p0 [sflag:s31], $0x80  }
0xa6: {  	s10 =	sand.u32 @!p1 $0xFC00, s2;
	[sflag:s31] =	ssyncset.done @!p0 $0x0  }
0xa7: {  	s2 =	sand.u32 @!p1 $0x300, s2;
	s10 =	sadd.s32 @!p1 s9, s10;
	[sflag:s31] =	ssyncadd.s32 @!p0 $0xFFFFFF80  }
0xa8: {  	[spmem:s3] =	stream.indirect.scatter.add.f32 [tilespmem:s23], [sflag:$0x3], $0x80, s21, s22, $0xb8;
	[tilespmem:$0x1C500] =	vst v63  }
0xa9: {  	s11 =	simm.s32 @!p1 $0x0;
	s2 =	sor.u32 @!p1 s2, s10;
	_ =	swait.ge [sflag:s18], $0x4000  }
0xaa: {  	s13 =	simm.s32 @!p1 $0x14280;
	s2 =	sshrl.u32 @!p1 s2, $0x3;
	[sflag:s18] =	ssyncset.done $0x0  }
0xab: {  	s10 =	simm.s32 @!p1 $0x3;
	s12 =	sadd.s32 @!p1 s7, s2;
	[sflag:s18] =	ssyncadd.s32 $0xFFFFC000  }
0xac: {  	[tilespmem:s13], [sflag:$0x3] =	stream.linear.gather @!p1 [hbm4b:s12+s11], $0x80, $0x38;
	[tilespmem:$0x1C500] =	vst v63  }
0xad: {  	_ =	swait.ge @!p1 [sflag:s10], $0x80  }
0xae: {  	[sflag:s10] =	ssyncset.done @!p1 $0x0  }
0xaf: {  	s2 =	sadd.s32 @!p1 s8, s2;
	s12 =	simm.s32 @!p1 $0x14300;
	[sflag:s10] =	ssyncadd.s32 @!p1 $0xFFFFFF80  }
0xb0: {  	[tilespmem:s12], [sflag:$0x3] =	stream.linear.gather @!p1 [hbm4b:s2+s11], $0x80, $0x38;
	[tilespmem:$0x1C500] =	vst v63  }
0xb1: {  	_ =	swait.ge @!p1 [sflag:s10], $0x80  }
0xb2: {  	[sflag:s10] =	ssyncset.done @!p1 $0x0  }
0xb3: {  	[sflag:s10] =	ssyncadd.s32 @!p1 $0xFFFFFF80  }
0xb4: {  	v1 =	vld @!p1 [tilespmem:$0x14280]  }
0xb5: {  	v2 =	vld @!p1 [tilespmem:$0x14290]  }
0xb6: {  	v3 =	vld @!p1 [tilespmem:$0x142A0]  }
0xb7: {  	v4 =	vld @!p1 [tilespmem:$0x142D0]  }
0xb8: {  	v5 =	vld @!p1 [tilespmem:$0x142B0]  }
0xb9: {  	v6 =	vld @!p1 [tilespmem:$0x142E0];
	v1 =	vadd.s32 @!p1 v0, v1  }
0xba: {  	[tilespmem:$0x14280] =	vst @!p1 v1;
	v1 =	vadd.s32 @!p1 v0, v2;
	v2 =	vld @!p1 [tilespmem:$0x142F0]  }
0xbb: {  	[tilespmem:$0x14290] =	vst @!p1 v1;
	v1 =	vadd.s32 @!p1 v0, v3;
	v3 =	vld @!p1 [tilespmem:$0x142C0]  }
0xbc: {  	[tilespmem:$0x142A0] =	vst @!p1 v1;
	v1 =	vadd.s32 @!p1 v0, v4  }
0xbd: {  	v4 =	vadd.s32 @!p1 v0, v5;
	[tilespmem:$0x142D0] =	vst @!p1 v1  }
0xbe: {  	[tilespmem:$0x142B0] =	vst @!p1 v4;
	v1 =	vadd.s32 @!p1 v0, v6  }
0xbf: {  	[tilespmem:$0x142E0] =	vst @!p1 v1;
	v1 =	vadd.s32 @!p1 v0, v2  }
0xc0: {  	v2 =	vadd.s32 @!p1 v0, v3;
	[tilespmem:$0x142F0] =	vst @!p1 v1  }
0xc1: {  	s2 =	simm.s32 @!p1 $0x80;
	s10 =	simm.s32 @!p1 $0x14380;
	[tilespmem:$0x142C0] =	vst @!p1 v2  }
0xc2: {  	[tilespmem:s10], [sflag:$0x1] =	stream.indirect.gather @!p1 [hbm4b:s0+s2], $0x80, s13, s2, $0xb8;
	[tilespmem:$0x1C500] =	vst v63  }
0xc3: {  	_ =	swait.ge [sflag:s29], $0x4000  }
0xc4: {  	[sflag:s29] =	ssyncset.done $0x0  }
0xc5: {  	[sflag:s29] =	ssyncadd.s32 $0xFFFFC000  }
0xc6: {  	[spmem:s4] =	stream.indirect.scatter.add.f32 @!p0 [tilespmem:s1], [sflag:$0x3], $0x1, s14, s5, $0xb8;
	[tilespmem:$0x1C500] =	vst v63  }
0xc7: {  	_ =	swait.ge @!p0 [sflag:s31], $0x80  }
0xc8: {  	[sflag:s31] =	ssyncset.done @!p0 $0x0  }
0xc9: {  	[sflag:s31] =	ssyncadd.s32 @!p0 $0xFFFFFF80  }
0xca: {  	[spmem:s3] =	stream.indirect.scatter.add.f32 [tilespmem:s26], [sflag:$0x3], $0x80, s25, s22, $0xb8;
	[tilespmem:$0x1C500] =	vst v63  }
0xcb: {  	_ =	swait.ge [sflag:s18], $0x4000  }
0xcc: {  	[sflag:s18] =	ssyncset.done $0x0  }
0xcd: {  	[sflag:s18] =	ssyncadd.s32 $0xFFFFC000  }
0xce: {  	[bflag:$0x0] =	sbarrier.arrive $0xFFFF  }
0xcf: {  	s11 =	rddreg [dreg:$0x9]  }
0xd0: {  	s20 =	rddreg [dreg:$0xc]  }
0xd1: {  	s5 =	rddreg [dreg:$0xf]  }
0xd2: {  	[hbm:s20], [sflag:s11] =	dma.local [spmem:s5], $0x2800  }
0xd3: {  	_ =	swait.ge [sflag:s18], $0x2800  }
0xd4: {  	[sflag:s18] =	ssyncset.done $0x0;
	s1 =	rddreg [dreg:$0xd]  }
0xd5: {  	s10 =	rddreg [dreg:$0x10];
	[sflag:s18] =	ssyncadd.s32 $0xFFFFD800  }
0xd6: {  	[hbm:s1], [sflag:s11] =	dma.local @!p0 [spmem:s10], $0x50  }
0xd7: {  	s1 =	simm.s32 @!p0 $0x3  }
0xd8: {  	_ =	swait.ge @!p0 [sflag:s1], $0x50  }
0xd9: {  	s30 =	sadd.s32 $0x1, s30;
	s31 =	rddreg [dreg:$0xe]  }
0xda: {  	p1 =	sne.s32 s30, s31  }
.Ltmp1:
0xdb: {  	_ = 	snop;
	(pc) =	sbr.rel @p1 .LBB2_1-.Ltmp1, $3  }
0xdc: {  	_ =	sdelay $0x1  }
0xdd: {  	[sflag:s1] =	ssyncset.done @!p0 $0x0  }
0xde: {  	[sflag:s1] =	ssyncadd.s32 @!p0 $0xFFFFFFB0  }
0xdf: {  	_ =	sfence.sel $0x180000  }
0xe0: {  	[bflag:$0x0] =	sbarrier.arrive $0xFFFF  }
0xe1: {  	_ =	strace $0x90000047  }
0xe2: {  	s0 =	stileid.u32;
	[bflag:$0x2] =	sbarrier.arrive $0xFFFF  }
0xe3: {  	p0 =	sne.s32 s0, $0x0;
	s0 =	rddreg [dreg:$0x7]  }
0xe4: {  	s0 =	sadd.s32 @!p0 $0x100000, s0  }
0xe5: {  	[sflag:s0] =	ssyncadd.tile.s32 @!p0 $0x1;
	_ =	shalt  }
.Lfunc_end2:
_tile_overlayer_lowered:
.L_overlay_start_2:
0xe6: {  	(tag) =	ssettag $0x2  }
0xe7: {  	s0 =	rddreg [dreg:$0x0];
	s2 =	stileid.u32  }
0xe8: {  	s1 =	rddreg [dreg:$0x1];
	p0 =	sne.s32 s2, $0x0  }
0xe9: {  	s3 =	rddreg [dreg:$0x2];
	[bflag:$0x3] =	sbarrier.arrive $0xFFFF;
	s2 =	simm.s32 @!p0 $0x1C03  }
0xea: {  	[timem:s3], [sflag:s2] =	dma.local @!p0 [hbm:s0], s1  }
0xeb: {  	s0 =	simm.s32 @!p0 $0x3  }
0xec: {  	_ =	swait.ge @!p0 [sflag:s0], s1  }
0xed: {  	s1 =	ssub.s32 @!p0 $0x0, s1;
	[sflag:s0] =	ssyncset.done @!p0 $0x0  }
0xee: {  	[sflag:s0] =	ssyncadd.s32 @!p0 s1  }
0xef: {  	[bflag:$0x3] =	sbarrier.arrive $0xFFFF  }
0xf0: {  	_ =	shalt  }

</sc_bundles>
